<compile_context>
chip_gen: v7x
topology: tpu7x:2x2x1
jax: 0.10.2.dev20260603
libtpu: 0.0.44.dev20260713+nightly
codegen_flags: <defaults>
</compile_context>

<pallas_src>
import functools

import jax
import jax.numpy as jnp
from jax import lax
from jax.experimental import pallas as pl
from jax.experimental.pallas import tpu as pltpu
from jax.experimental.pallas import tpu_sc as plsc

_N = 4096
_D = 256
_K = 8
_BM = 512
_GRID = _N // _BM

_NC = 2
_NS = 16
_NW = _NC * _NS
_EPW = (_N * _K) // _NW
_CH = _EPW // 16
_DMA_CH = 128


def _tc_body(z_blk, z_full, t_blk, idx_out, tsum_out):
    i = pl.program_id(0)

    ones_n = jnp.ones((_N,), jnp.float32)
    row_sums = lax.dot_general(t_blk[...], ones_n, (((1,), (0,)), ((), ())),
                               preferred_element_type=jnp.float32)
    tsum_out[...] = jnp.full((1, 1, 128), jnp.sum(row_sums), jnp.float32)

    zb = z_blk[...] * (-2.0)
    zf = z_full[...]
    sq_full = jnp.sum(zf * zf, axis=1)
    g = lax.dot_general(zb, zf, (((1,), (1,)), ((), ())),
                        preferred_element_type=jnp.float32)
    dm = g + sq_full[None, :]

    cols = lax.broadcasted_iota(jnp.int32, (_BM, _N), 1)

    dbits = lax.bitcast_convert_type(dm, jnp.int32)
    mono = dbits ^ ((dbits >> 31) & jnp.int32(0x7FFFFFFF))
    key = (mono & jnp.int32(~0xFFF)) | cols

    _MAX = jnp.int32(0x7FFFFFFF)
    _GW = _N // 32
    min1 = key[:, 0:_GW]
    min2 = jnp.full((_BM, _GW), _MAX, jnp.int32)
    for a in range(1, 32):
        x = key[:, a * _GW:(a + 1) * _GW]
        hi = jnp.maximum(min1, x)
        min1 = jnp.minimum(min1, x)
        min2 = jnp.minimum(min2, hi)
    cand = jnp.concatenate([min1, min2], axis=1)

    picks = []
    for k in range(_K + 1):
        m = jnp.min(cand, axis=1, keepdims=True)
        picks.append(m & 0xFFF)
        if k < _K:
            cand = jnp.where(cand == m, _MAX, cand)
    idx_out[...] = jnp.concatenate(picks[1:], axis=1)


def _tc_topk_tsum(Z, T):
    return pl.pallas_call(
        _tc_body,
        grid=(_GRID,),
        in_specs=[
            pl.BlockSpec((_BM, _D), lambda i: (i, 0)),
            pl.BlockSpec((_N, _D), lambda i: (0, 0)),
            pl.BlockSpec((_BM, _N), lambda i: (i, 0)),
        ],
        out_specs=[
            pl.BlockSpec((_BM, _K), lambda i: (i, 0)),
            pl.BlockSpec((1, 1, 128), lambda i: (i, 0, 0)),
        ],
        out_shape=[
            jax.ShapeDtypeStruct((_N, _K), jnp.int32),
            jax.ShapeDtypeStruct((_GRID, 1, 128), jnp.float32),
        ],
    )(Z, Z, T)


def _sc_body(idx_hbm, t_hbm, out_hbm,
             idx_all, off_f, off_b, nm, tf, tb, acc_v, sem):
    wid = lax.axis_index("s") * _NC + lax.axis_index("c")
    base_e = wid * _EPW
    base_r = wid * (_EPW // _K)

    pltpu.sync_copy(idx_hbm, idx_all)

    lane = lax.iota(jnp.int32, 16)

    def phase_a(c, carry):
        e_lo = c * 16
        j = idx_all[pl.ds(base_e + e_lo, 16)]
        row = base_r + lax.shift_right_logical(e_lo + lane, 3)
        off_f[pl.ds(e_lo, 16)] = row * _N + j
        off_b[pl.ds(e_lo, 16)] = j * _N + row
        return carry

    lax.fori_loop(0, _CH, phase_a, 0, unroll=4)

    copies = []
    for g in range(_EPW // _DMA_CH):
        s = pl.ds(g * _DMA_CH, _DMA_CH)
        copies.append(pltpu.async_copy(t_hbm.at[off_f.at[s]], tf.at[s], sem))
        copies.append(pltpu.async_copy(t_hbm.at[off_b.at[s]], tb.at[s], sem))

    def phase_b(c, carry):
        e_lo = c * 16
        j = idx_all[pl.ds(base_e + e_lo, 16)]
        row = base_r + lax.shift_right_logical(e_lo + lane, 3)
        mut = jnp.zeros((16,), jnp.bool_)
        for k2 in range(_K):
            nb = plsc.load_gather(idx_all, [j * _K + k2])
            mut = mut | (nb == row)
        nm[pl.ds(e_lo, 16)] = jnp.where(mut, 0.0, 1.0)
        return carry

    lax.fori_loop(0, _CH, phase_b, 0, unroll=2)

    for cp in copies:
        cp.wait()

    def phase_c(c, acc):
        s = pl.ds(c * 16, 16)
        return acc + (1.0 - 2.0 * tf[s]) + nm[s] * (1.0 - 2.0 * tb[s])

    acc = lax.fori_loop(0, _CH, phase_c, jnp.zeros((16,), jnp.float32),
                        unroll=4)
    acc_v[...] = acc
    pltpu.sync_copy(acc_v, out_hbm.at[wid])


def _sc_edge_corr(idx_flat, t_flat):
    mesh = plsc.VectorSubcoreMesh(core_axis_name="c", subcore_axis_name="s")
    f = functools.partial(
        pl.kernel,
        mesh=mesh,
        compiler_params=pltpu.CompilerParams(needs_layout_passes=False),
        out_type=jax.ShapeDtypeStruct((_NW, 16), jnp.float32),
        scratch_types=[
            pltpu.VMEM((_N * _K,), jnp.int32),
            pltpu.VMEM((_EPW,), jnp.int32),
            pltpu.VMEM((_EPW,), jnp.int32),
            pltpu.VMEM((_EPW,), jnp.float32),
            pltpu.VMEM((_EPW,), jnp.float32),
            pltpu.VMEM((_EPW,), jnp.float32),
            pltpu.VMEM((16,), jnp.float32),
            pltpu.SemaphoreType.DMA,
        ],
    )(_sc_body)
    return f(idx_flat, t_flat)


def kernel(Z, target_adj):
    idx, tsum_parts = _tc_topk_tsum(Z, target_adj)
    corr_parts = _sc_edge_corr(idx.reshape(-1), target_adj.reshape(-1))
    s_t = jnp.sum(tsum_parts[:, 0, 0])
    corr = jnp.sum(corr_parts)
    return (100.0 * (s_t + corr)) / jnp.float32(_N * _N)

# --- scband reference (transcript-rebuilt; emitter-appended) ---
"""Pipeline reference for scband-knntopo-loss-12094627905840 (READ-ONLY COPY).

The authoritative reference and input builder live on the scoring server;
editing this copy changes nothing except your own understanding.
"""

import jax, jax.numpy as jnp
import numpy as np

N = 4096
D = 256
K = 8


def knn_indices(arr, k):
    # torch.cdist(arr, arr, p=2) equivalent
    sq = jnp.sum(arr * arr, axis=1)
    d2 = sq[:, None] - 2.0 * (arr @ arr.T) + sq[None, :]
    d = jnp.sqrt(jnp.maximum(d2, 0.0))
    n = arr.shape[0]
    diag = jnp.arange(n)
    d = d.at[diag, diag].set(jnp.inf)
    k = min(k, n - 1)
    neg_vals, idx = jax.lax.top_k(-d, k)  # smallest-k via negation
    return idx


def setup_inputs(seed: int = 0) -> dict:
    key = jax.random.key(seed)
    k1, k2 = jax.random.split(key)
    Z = jax.random.normal(k1, (N, D), dtype=jnp.float32)
    target_adj = jax.random.uniform(k2, (N, N), dtype=jnp.float32)
    return {"Z": Z, "target_adj": target_adj}


def reference(Z, target_adj):
    idx = knn_indices(Z, K)
    n = Z.shape[0]
    rows = jnp.broadcast_to(jnp.arange(n)[:, None], idx.shape)
    A = jnp.zeros((n, n), dtype=jnp.float32)
    A = A.at[rows, idx].set(1.0)
    A = A.at[idx, rows].set(1.0)
    A = jnp.maximum(A, A.T)
    # BCE with torch-style log clamping at -100
    logA = jnp.clip(jnp.log(A), -100.0, None)
    log1mA = jnp.clip(jnp.log(1.0 - A), -100.0, None)
    loss = -(target_adj * logA + (1.0 - target_adj) * log1mA)
    return jnp.mean(loss)

if __name__ == "__main__":
    import jax
    _d = setup_inputs()
    print(jax.jit(kernel)(*tuple(_d.values())))

</pallas_src>

<mosaic_0001>
#map = affine_map<(d0, d1) -> (0)>
#map1 = affine_map<(d0, d1) -> (0, 0)>
module attributes {stable_mosaic.version = 14 : i64} {
  func.func @_sc_body(%arg0: i32, %arg1: i32, %arg2: memref<32768xi32, #tpu.memory_space<hbm>>, %arg3: memref<16777216xf32, #tpu.memory_space<hbm>>, %arg4: memref<32x16xf32, #tpu.memory_space<hbm>>, %arg5: memref<32768xi32, #tpu.memory_space<vmem>>, %arg6: memref<1024xi32, #tpu.memory_space<vmem>>, %arg7: memref<1024xi32, #tpu.memory_space<vmem>>, %arg8: memref<1024xf32, #tpu.memory_space<vmem>>, %arg9: memref<1024xf32, #tpu.memory_space<vmem>>, %arg10: memref<1024xf32, #tpu.memory_space<vmem>>, %arg11: memref<16xf32, #tpu.memory_space<vmem>>, %arg12: memref<!tpu.dma_semaphore, #tpu.memory_space<semaphore_mem>>) attributes {dimension_semantics = [#tpu.dimension_semantics<core_parallel>, #tpu.dimension_semantics<subcore_parallel>], iteration_bounds = array<i64: 2, 16>, scalar_prefetch = 0 : i64, scratch_operands = 8 : i64, tpu.core_type = #tpu.core_type<sc_vector_subcore>, window_params = [{transform_indices = #map}, {transform_indices = #map}, {transform_indices = #map1}]} {
    %mul3A = arith.constant 2 : i32
    %mul3A_0 = arith.muli %arg1, %mul3A : i32
    %add3A = arith.addi %mul3A_0, %arg0 : i32
    %mul3A_1 = arith.constant 1024 : i32
    %mul3A_2 = arith.muli %add3A, %mul3A_1 : i32
    %mul3A_3 = arith.constant 128 : i32
    %mul3A_4 = arith.muli %add3A, %mul3A_3 : i32
    "tpu.region"() ({
      %run_scoped3A = tpu.sem_alloc : memref<!tpu.dma_semaphore, #tpu.memory_space<semaphore_mem>>
      tpu.enqueue_dma source(%arg2 : memref<32768xi32, #tpu.memory_space<hbm>>) target(%arg5 : memref<32768xi32, #tpu.memory_space<vmem>>) target_semaphore(%run_scoped3A : memref<!tpu.dma_semaphore, #tpu.memory_space<semaphore_mem>>)
      tpu.wait_dma2 semaphore(%run_scoped3A : memref<!tpu.dma_semaphore, #tpu.memory_space<semaphore_mem>>) src(%arg2 : memref<32768xi32, #tpu.memory_space<hbm>>) dst(%arg5 : memref<32768xi32, #tpu.memory_space<vmem>>)
      tpu.yield
    }) : () -> ()
    %iota3A = tpu.iota {dimensions = array<i32: 0>} : vector<16xi32>
    %scan3A = arith.constant 0 : i32
    %scan3A_5 = arith.constant 0 : i32
    %scan3A_6 = arith.constant 64 : i32
    %scan3A_7 = arith.addi %scan3A_5, %scan3A_6 : i32
    %scan3A_8 = arith.constant 4 : i32
    scf.for %scan3A_214 = %scan3A_5 to %scan3A_7 step %scan3A_8  : i32 {
      %mul3A_215 = arith.constant 16 : i32
      %mul3A_216 = arith.muli %scan3A_214, %mul3A_215 : i32
      %add3A_217 = arith.addi %mul3A_2, %mul3A_216 : i32
      %get3A = arith.index_cast %add3A_217 : i32 to index
      %get3A_218 = tpu.vector_load %arg5[%get3A] {strides = array<i32>} : memref<32768xi32, #tpu.memory_space<vmem>>, vector<16xi32>,
      %add3A_219 = vector.broadcast %mul3A_216 : i32 to vector<16xi32>
      %add3A_220 = arith.addi %add3A_219, %iota3A : vector<16xi32>
      %shift_right_logical3A = arith.constant 3 : i32
      %shift_right_logical3A_221 = vector.broadcast %shift_right_logical3A : i32 to vector<16xi32>
      %shift_right_logical3A_222 = arith.shrui %add3A_220, %shift_right_logical3A_221 : vector<16xi32>
      %add3A_223 = vector.broadcast %mul3A_4 : i32 to vector<16xi32>
      %add3A_224 = arith.addi %add3A_223, %shift_right_logical3A_222 : vector<16xi32>
      %mul3A_225 = arith.constant 4096 : i32
      %mul3A_226 = vector.broadcast %mul3A_225 : i32 to vector<16xi32>
      %mul3A_227 = arith.muli %add3A_224, %mul3A_226 : vector<16xi32>
      %add3A_228 = arith.addi %mul3A_227, %get3A_218 : vector<16xi32>
      %swap3A_229 = arith.index_cast %mul3A_216 : i32 to index
      %swap3A_230 = tpu.vector_load %arg6[%swap3A_229] {strides = array<i32>} : memref<1024xi32, #tpu.memory_space<vmem>>, vector<16xi32>,
      tpu.vector_store %arg6[%swap3A_229], %add3A_228 {strides = array<i32>} : memref<1024xi32, #tpu.memory_space<vmem>>, vector<16xi32>,
      %mul3A_231 = arith.constant 4096 : i32
      %mul3A_232 = vector.broadcast %mul3A_231 : i32 to vector<16xi32>
      %mul3A_233 = arith.muli %get3A_218, %mul3A_232 : vector<16xi32>
      %add3A_234 = arith.addi %mul3A_233, %add3A_224 : vector<16xi32>
      %swap3A_235 = arith.index_cast %mul3A_216 : i32 to index
      %swap3A_236 = tpu.vector_load %arg7[%swap3A_235] {strides = array<i32>} : memref<1024xi32, #tpu.memory_space<vmem>>, vector<16xi32>,
      tpu.vector_store %arg7[%swap3A_235], %add3A_234 {strides = array<i32>} : memref<1024xi32, #tpu.memory_space<vmem>>, vector<16xi32>,
      %scan3A_237 = arith.constant 1 : i32
      %scan3A_238 = arith.addi %scan3A_214, %scan3A_237 : i32
      %mul3A_239 = arith.constant 16 : i32
      %mul3A_240 = arith.muli %scan3A_238, %mul3A_239 : i32
      %add3A_241 = arith.addi %mul3A_2, %mul3A_240 : i32
      %get3A_242 = arith.index_cast %add3A_241 : i32 to index
      %get3A_243 = tpu.vector_load %arg5[%get3A_242] {strides = array<i32>} : memref<32768xi32, #tpu.memory_space<vmem>>, vector<16xi32>,
      %add3A_244 = vector.broadcast %mul3A_240 : i32 to vector<16xi32>
      %add3A_245 = arith.addi %add3A_244, %iota3A : vector<16xi32>
      %shift_right_logical3A_246 = arith.constant 3 : i32
      %shift_right_logical3A_247 = vector.broadcast %shift_right_logical3A_246 : i32 to vector<16xi32>
      %shift_right_logical3A_248 = arith.shrui %add3A_245, %shift_right_logical3A_247 : vector<16xi32>
      %add3A_249 = vector.broadcast %mul3A_4 : i32 to vector<16xi32>
      %add3A_250 = arith.addi %add3A_249, %shift_right_logical3A_248 : vector<16xi32>
      %mul3A_251 = arith.constant 4096 : i32
      %mul3A_252 = vector.broadcast %mul3A_251 : i32 to vector<16xi32>
      %mul3A_253 = arith.muli %add3A_250, %mul3A_252 : vector<16xi32>
      %add3A_254 = arith.addi %mul3A_253, %get3A_243 : vector<16xi32>
      %swap3A_255 = arith.index_cast %mul3A_240 : i32 to index
      %swap3A_256 = tpu.vector_load %arg6[%swap3A_255] {strides = array<i32>} : memref<1024xi32, #tpu.memory_space<vmem>>, vector<16xi32>,
      tpu.vector_store %arg6[%swap3A_255], %add3A_254 {strides = array<i32>} : memref<1024xi32, #tpu.memory_space<vmem>>, vector<16xi32>,
      %mul3A_257 = arith.constant 4096 : i32
      %mul3A_258 = vector.broadcast %mul3A_257 : i32 to vector<16xi32>
      %mul3A_259 = arith.muli %get3A_243, %mul3A_258 : vector<16xi32>
      %add3A_260 = arith.addi %mul3A_259, %add3A_250 : vector<16xi32>
      %swap3A_261 = arith.index_cast %mul3A_240 : i32 to index
      %swap3A_262 = tpu.vector_load %arg7[%swap3A_261] {strides = array<i32>} : memref<1024xi32, #tpu.memory_space<vmem>>, vector<16xi32>,
      tpu.vector_store %arg7[%swap3A_261], %add3A_260 {strides = array<i32>} : memref<1024xi32, #tpu.memory_space<vmem>>, vector<16xi32>,
      %scan3A_263 = arith.constant 2 : i32
      %scan3A_264 = arith.addi %scan3A_214, %scan3A_263 : i32
      %mul3A_265 = arith.constant 16 : i32
      %mul3A_266 = arith.muli %scan3A_264, %mul3A_265 : i32
      %add3A_267 = arith.addi %mul3A_2, %mul3A_266 : i32
      %get3A_268 = arith.index_cast %add3A_267 : i32 to index
      %get3A_269 = tpu.vector_load %arg5[%get3A_268] {strides = array<i32>} : memref<32768xi32, #tpu.memory_space<vmem>>, vector<16xi32>,
      %add3A_270 = vector.broadcast %mul3A_266 : i32 to vector<16xi32>
      %add3A_271 = arith.addi %add3A_270, %iota3A : vector<16xi32>
      %shift_right_logical3A_272 = arith.constant 3 : i32
      %shift_right_logical3A_273 = vector.broadcast %shift_right_logical3A_272 : i32 to vector<16xi32>
      %shift_right_logical3A_274 = arith.shrui %add3A_271, %shift_right_logical3A_273 : vector<16xi32>
      %add3A_275 = vector.broadcast %mul3A_4 : i32 to vector<16xi32>
      %add3A_276 = arith.addi %add3A_275, %shift_right_logical3A_274 : vector<16xi32>
      %mul3A_277 = arith.constant 4096 : i32
      %mul3A_278 = vector.broadcast %mul3A_277 : i32 to vector<16xi32>
      %mul3A_279 = arith.muli %add3A_276, %mul3A_278 : vector<16xi32>
      %add3A_280 = arith.addi %mul3A_279, %get3A_269 : vector<16xi32>
      %swap3A_281 = arith.index_cast %mul3A_266 : i32 to index
      %swap3A_282 = tpu.vector_load %arg6[%swap3A_281] {strides = array<i32>} : memref<1024xi32, #tpu.memory_space<vmem>>, vector<16xi32>,
      tpu.vector_store %arg6[%swap3A_281], %add3A_280 {strides = array<i32>} : memref<1024xi32, #tpu.memory_space<vmem>>, vector<16xi32>,
      %mul3A_283 = arith.constant 4096 : i32
      %mul3A_284 = vector.broadcast %mul3A_283 : i32 to vector<16xi32>
      %mul3A_285 = arith.muli %get3A_269, %mul3A_284 : vector<16xi32>
      %add3A_286 = arith.addi %mul3A_285, %add3A_276 : vector<16xi32>
      %swap3A_287 = arith.index_cast %mul3A_266 : i32 to index
      %swap3A_288 = tpu.vector_load %arg7[%swap3A_287] {strides = array<i32>} : memref<1024xi32, #tpu.memory_space<vmem>>, vector<16xi32>,
      tpu.vector_store %arg7[%swap3A_287], %add3A_286 {strides = array<i32>} : memref<1024xi32, #tpu.memory_space<vmem>>, vector<16xi32>,
      %scan3A_289 = arith.constant 3 : i32
      %scan3A_290 = arith.addi %scan3A_214, %scan3A_289 : i32
      %mul3A_291 = arith.constant 16 : i32
      %mul3A_292 = arith.muli %scan3A_290, %mul3A_291 : i32
      %add3A_293 = arith.addi %mul3A_2, %mul3A_292 : i32
      %get3A_294 = arith.index_cast %add3A_293 : i32 to index
      %get3A_295 = tpu.vector_load %arg5[%get3A_294] {strides = array<i32>} : memref<32768xi32, #tpu.memory_space<vmem>>, vector<16xi32>,
      %add3A_296 = vector.broadcast %mul3A_292 : i32 to vector<16xi32>
      %add3A_297 = arith.addi %add3A_296, %iota3A : vector<16xi32>
      %shift_right_logical3A_298 = arith.constant 3 : i32
      %shift_right_logical3A_299 = vector.broadcast %shift_right_logical3A_298 : i32 to vector<16xi32>
      %shift_right_logical3A_300 = arith.shrui %add3A_297, %shift_right_logical3A_299 : vector<16xi32>
      %add3A_301 = vector.broadcast %mul3A_4 : i32 to vector<16xi32>
      %add3A_302 = arith.addi %add3A_301, %shift_right_logical3A_300 : vector<16xi32>
      %mul3A_303 = arith.constant 4096 : i32
      %mul3A_304 = vector.broadcast %mul3A_303 : i32 to vector<16xi32>
      %mul3A_305 = arith.muli %add3A_302, %mul3A_304 : vector<16xi32>
      %add3A_306 = arith.addi %mul3A_305, %get3A_295 : vector<16xi32>
      %swap3A_307 = arith.index_cast %mul3A_292 : i32 to index
      %swap3A_308 = tpu.vector_load %arg6[%swap3A_307] {strides = array<i32>} : memref<1024xi32, #tpu.memory_space<vmem>>, vector<16xi32>,
      tpu.vector_store %arg6[%swap3A_307], %add3A_306 {strides = array<i32>} : memref<1024xi32, #tpu.memory_space<vmem>>, vector<16xi32>,
      %mul3A_309 = arith.constant 4096 : i32
      %mul3A_310 = vector.broadcast %mul3A_309 : i32 to vector<16xi32>
      %mul3A_311 = arith.muli %get3A_295, %mul3A_310 : vector<16xi32>
      %add3A_312 = arith.addi %mul3A_311, %add3A_302 : vector<16xi32>
      %swap3A_313 = arith.index_cast %mul3A_292 : i32 to index
      %swap3A_314 = tpu.vector_load %arg7[%swap3A_313] {strides = array<i32>} : memref<1024xi32, #tpu.memory_space<vmem>>, vector<16xi32>,
      tpu.vector_store %arg7[%swap3A_313], %add3A_312 {strides = array<i32>} : memref<1024xi32, #tpu.memory_space<vmem>>, vector<16xi32>,
    }
    %scan3A_9 = arith.constant 64 : i32
    %dma_start3A = arith.constant 0 : i32
    %dma_start3A_10 = tpu.memref_slice %arg9[%dma_start3A] : memref<1024xf32, #tpu.memory_space<vmem>> -> memref<128xf32, #tpu.memory_space<vmem>>
    %dma_start3A_11 = arith.constant 0 : i32
    %dma_start3A_12 = tpu.memref_slice %arg6[%dma_start3A_11] : memref<1024xi32, #tpu.memory_space<vmem>> -> memref<128xi32, #tpu.memory_space<vmem>>
    %dma_start3A_13 = arith.constant 0 : i32
    %dma_start3A_14 = tpu.memref_slice %arg3[%dma_start3A_13] : memref<16777216xf32, #tpu.memory_space<hbm>> -> memref<16777216xf32, #tpu.memory_space<hbm>>
    tpu.enqueue_indirect_dma source(%dma_start3A_14 : memref<16777216xf32, #tpu.memory_space<hbm>>) target(%dma_start3A_10 : memref<128xf32, #tpu.memory_space<vmem>>) offsets(%dma_start3A_12 : memref<128xi32, #tpu.memory_space<vmem>>) semaphore(%arg12 : memref<!tpu.dma_semaphore, #tpu.memory_space<semaphore_mem>>)
    %dma_start3A_15 = arith.constant 0 : i32
    %dma_start3A_16 = tpu.memref_slice %arg10[%dma_start3A_15] : memref<1024xf32, #tpu.memory_space<vmem>> -> memref<128xf32, #tpu.memory_space<vmem>>
    %dma_start3A_17 = arith.constant 0 : i32
    %dma_start3A_18 = tpu.memref_slice %arg7[%dma_start3A_17] : memref<1024xi32, #tpu.memory_space<vmem>> -> memref<128xi32, #tpu.memory_space<vmem>>
    %dma_start3A_19 = arith.constant 0 : i32
    %dma_start3A_20 = tpu.memref_slice %arg3[%dma_start3A_19] : memref<16777216xf32, #tpu.memory_space<hbm>> -> memref<16777216xf32, #tpu.memory_space<hbm>>
    tpu.enqueue_indirect_dma source(%dma_start3A_20 : memref<16777216xf32, #tpu.memory_space<hbm>>) target(%dma_start3A_16 : memref<128xf32, #tpu.memory_space<vmem>>) offsets(%dma_start3A_18 : memref<128xi32, #tpu.memory_space<vmem>>) semaphore(%arg12 : memref<!tpu.dma_semaphore, #tpu.memory_space<semaphore_mem>>)
    %dma_start3A_21 = arith.constant 128 : i32
    %dma_start3A_22 = tpu.memref_slice %arg9[%dma_start3A_21] : memref<1024xf32, #tpu.memory_space<vmem>> -> memref<128xf32, #tpu.memory_space<vmem>>
    %dma_start3A_23 = arith.constant 128 : i32
    %dma_start3A_24 = tpu.memref_slice %arg6[%dma_start3A_23] : memref<1024xi32, #tpu.memory_space<vmem>> -> memref<128xi32, #tpu.memory_space<vmem>>
    %dma_start3A_25 = arith.constant 0 : i32
    %dma_start3A_26 = tpu.memref_slice %arg3[%dma_start3A_25] : memref<16777216xf32, #tpu.memory_space<hbm>> -> memref<16777216xf32, #tpu.memory_space<hbm>>
    tpu.enqueue_indirect_dma source(%dma_start3A_26 : memref<16777216xf32, #tpu.memory_space<hbm>>) target(%dma_start3A_22 : memref<128xf32, #tpu.memory_space<vmem>>) offsets(%dma_start3A_24 : memref<128xi32, #tpu.memory_space<vmem>>) semaphore(%arg12 : memref<!tpu.dma_semaphore, #tpu.memory_space<semaphore_mem>>)
    %dma_start3A_27 = arith.constant 128 : i32
    %dma_start3A_28 = tpu.memref_slice %arg10[%dma_start3A_27] : memref<1024xf32, #tpu.memory_space<vmem>> -> memref<128xf32, #tpu.memory_space<vmem>>
    %dma_start3A_29 = arith.constant 128 : i32
    %dma_start3A_30 = tpu.memref_slice %arg7[%dma_start3A_29] : memref<1024xi32, #tpu.memory_space<vmem>> -> memref<128xi32, #tpu.memory_space<vmem>>
    %dma_start3A_31 = arith.constant 0 : i32
    %dma_start3A_32 = tpu.memref_slice %arg3[%dma_start3A_31] : memref<16777216xf32, #tpu.memory_space<hbm>> -> memref<16777216xf32, #tpu.memory_space<hbm>>
    tpu.enqueue_indirect_dma source(%dma_start3A_32 : memref<16777216xf32, #tpu.memory_space<hbm>>) target(%dma_start3A_28 : memref<128xf32, #tpu.memory_space<vmem>>) offsets(%dma_start3A_30 : memref<128xi32, #tpu.memory_space<vmem>>) semaphore(%arg12 : memref<!tpu.dma_semaphore, #tpu.memory_space<semaphore_mem>>)
    %dma_start3A_33 = arith.constant 256 : i32
    %dma_start3A_34 = tpu.memref_slice %arg9[%dma_start3A_33] : memref<1024xf32, #tpu.memory_space<vmem>> -> memref<128xf32, #tpu.memory_space<vmem>>
    %dma_start3A_35 = arith.constant 256 : i32
    %dma_start3A_36 = tpu.memref_slice %arg6[%dma_start3A_35] : memref<1024xi32, #tpu.memory_space<vmem>> -> memref<128xi32, #tpu.memory_space<vmem>>
    %dma_start3A_37 = arith.constant 0 : i32
    %dma_start3A_38 = tpu.memref_slice %arg3[%dma_start3A_37] : memref<16777216xf32, #tpu.memory_space<hbm>> -> memref<16777216xf32, #tpu.memory_space<hbm>>
    tpu.enqueue_indirect_dma source(%dma_start3A_38 : memref<16777216xf32, #tpu.memory_space<hbm>>) target(%dma_start3A_34 : memref<128xf32, #tpu.memory_space<vmem>>) offsets(%dma_start3A_36 : memref<128xi32, #tpu.memory_space<vmem>>) semaphore(%arg12 : memref<!tpu.dma_semaphore, #tpu.memory_space<semaphore_mem>>)
    %dma_start3A_39 = arith.constant 256 : i32
    %dma_start3A_40 = tpu.memref_slice %arg10[%dma_start3A_39] : memref<1024xf32, #tpu.memory_space<vmem>> -> memref<128xf32, #tpu.memory_space<vmem>>
    %dma_start3A_41 = arith.constant 256 : i32
    %dma_start3A_42 = tpu.memref_slice %arg7[%dma_start3A_41] : memref<1024xi32, #tpu.memory_space<vmem>> -> memref<128xi32, #tpu.memory_space<vmem>>
    %dma_start3A_43 = arith.constant 0 : i32
    %dma_start3A_44 = tpu.memref_slice %arg3[%dma_start3A_43] : memref<16777216xf32, #tpu.memory_space<hbm>> -> memref<16777216xf32, #tpu.memory_space<hbm>>
    tpu.enqueue_indirect_dma source(%dma_start3A_44 : memref<16777216xf32, #tpu.memory_space<hbm>>) target(%dma_start3A_40 : memref<128xf32, #tpu.memory_space<vmem>>) offsets(%dma_start3A_42 : memref<128xi32, #tpu.memory_space<vmem>>) semaphore(%arg12 : memref<!tpu.dma_semaphore, #tpu.memory_space<semaphore_mem>>)
    %dma_start3A_45 = arith.constant 384 : i32
    %dma_start3A_46 = tpu.memref_slice %arg9[%dma_start3A_45] : memref<1024xf32, #tpu.memory_space<vmem>> -> memref<128xf32, #tpu.memory_space<vmem>>
    %dma_start3A_47 = arith.constant 384 : i32
    %dma_start3A_48 = tpu.memref_slice %arg6[%dma_start3A_47] : memref<1024xi32, #tpu.memory_space<vmem>> -> memref<128xi32, #tpu.memory_space<vmem>>
    %dma_start3A_49 = arith.constant 0 : i32
    %dma_start3A_50 = tpu.memref_slice %arg3[%dma_start3A_49] : memref<16777216xf32, #tpu.memory_space<hbm>> -> memref<16777216xf32, #tpu.memory_space<hbm>>
    tpu.enqueue_indirect_dma source(%dma_start3A_50 : memref<16777216xf32, #tpu.memory_space<hbm>>) target(%dma_start3A_46 : memref<128xf32, #tpu.memory_space<vmem>>) offsets(%dma_start3A_48 : memref<128xi32, #tpu.memory_space<vmem>>) semaphore(%arg12 : memref<!tpu.dma_semaphore, #tpu.memory_space<semaphore_mem>>)
    %dma_start3A_51 = arith.constant 384 : i32
    %dma_start3A_52 = tpu.memref_slice %arg10[%dma_start3A_51] : memref<1024xf32, #tpu.memory_space<vmem>> -> memref<128xf32, #tpu.memory_space<vmem>>
    %dma_start3A_53 = arith.constant 384 : i32
    %dma_start3A_54 = tpu.memref_slice %arg7[%dma_start3A_53] : memref<1024xi32, #tpu.memory_space<vmem>> -> memref<128xi32, #tpu.memory_space<vmem>>
    %dma_start3A_55 = arith.constant 0 : i32
    %dma_start3A_56 = tpu.memref_slice %arg3[%dma_start3A_55] : memref<16777216xf32, #tpu.memory_space<hbm>> -> memref<16777216xf32, #tpu.memory_space<hbm>>
    tpu.enqueue_indirect_dma source(%dma_start3A_56 : memref<16777216xf32, #tpu.memory_space<hbm>>) target(%dma_start3A_52 : memref<128xf32, #tpu.memory_space<vmem>>) offsets(%dma_start3A_54 : memref<128xi32, #tpu.memory_space<vmem>>) semaphore(%arg12 : memref<!tpu.dma_semaphore, #tpu.memory_space<semaphore_mem>>)
    %dma_start3A_57 = arith.constant 512 : i32
    %dma_start3A_58 = tpu.memref_slice %arg9[%dma_start3A_57] : memref<1024xf32, #tpu.memory_space<vmem>> -> memref<128xf32, #tpu.memory_space<vmem>>
    %dma_start3A_59 = arith.constant 512 : i32
    %dma_start3A_60 = tpu.memref_slice %arg6[%dma_start3A_59] : memref<1024xi32, #tpu.memory_space<vmem>> -> memref<128xi32, #tpu.memory_space<vmem>>
    %dma_start3A_61 = arith.constant 0 : i32
    %dma_start3A_62 = tpu.memref_slice %arg3[%dma_start3A_61] : memref<16777216xf32, #tpu.memory_space<hbm>> -> memref<16777216xf32, #tpu.memory_space<hbm>>
    tpu.enqueue_indirect_dma source(%dma_start3A_62 : memref<16777216xf32, #tpu.memory_space<hbm>>) target(%dma_start3A_58 : memref<128xf32, #tpu.memory_space<vmem>>) offsets(%dma_start3A_60 : memref<128xi32, #tpu.memory_space<vmem>>) semaphore(%arg12 : memref<!tpu.dma_semaphore, #tpu.memory_space<semaphore_mem>>)
    %dma_start3A_63 = arith.constant 512 : i32
    %dma_start3A_64 = tpu.memref_slice %arg10[%dma_start3A_63] : memref<1024xf32, #tpu.memory_space<vmem>> -> memref<128xf32, #tpu.memory_space<vmem>>
    %dma_start3A_65 = arith.constant 512 : i32
    %dma_start3A_66 = tpu.memref_slice %arg7[%dma_start3A_65] : memref<1024xi32, #tpu.memory_space<vmem>> -> memref<128xi32, #tpu.memory_space<vmem>>
    %dma_start3A_67 = arith.constant 0 : i32
    %dma_start3A_68 = tpu.memref_slice %arg3[%dma_start3A_67] : memref<16777216xf32, #tpu.memory_space<hbm>> -> memref<16777216xf32, #tpu.memory_space<hbm>>
    tpu.enqueue_indirect_dma source(%dma_start3A_68 : memref<16777216xf32, #tpu.memory_space<hbm>>) target(%dma_start3A_64 : memref<128xf32, #tpu.memory_space<vmem>>) offsets(%dma_start3A_66 : memref<128xi32, #tpu.memory_space<vmem>>) semaphore(%arg12 : memref<!tpu.dma_semaphore, #tpu.memory_space<semaphore_mem>>)
    %dma_start3A_69 = arith.constant 640 : i32
    %dma_start3A_70 = tpu.memref_slice %arg9[%dma_start3A_69] : memref<1024xf32, #tpu.memory_space<vmem>> -> memref<128xf32, #tpu.memory_space<vmem>>
    %dma_start3A_71 = arith.constant 640 : i32
    %dma_start3A_72 = tpu.memref_slice %arg6[%dma_start3A_71] : memref<1024xi32, #tpu.memory_space<vmem>> -> memref<128xi32, #tpu.memory_space<vmem>>
    %dma_start3A_73 = arith.constant 0 : i32
    %dma_start3A_74 = tpu.memref_slice %arg3[%dma_start3A_73] : memref<16777216xf32, #tpu.memory_space<hbm>> -> memref<16777216xf32, #tpu.memory_space<hbm>>
    tpu.enqueue_indirect_dma source(%dma_start3A_74 : memref<16777216xf32, #tpu.memory_space<hbm>>) target(%dma_start3A_70 : memref<128xf32, #tpu.memory_space<vmem>>) offsets(%dma_start3A_72 : memref<128xi32, #tpu.memory_space<vmem>>) semaphore(%arg12 : memref<!tpu.dma_semaphore, #tpu.memory_space<semaphore_mem>>)
    %dma_start3A_75 = arith.constant 640 : i32
    %dma_start3A_76 = tpu.memref_slice %arg10[%dma_start3A_75] : memref<1024xf32, #tpu.memory_space<vmem>> -> memref<128xf32, #tpu.memory_space<vmem>>
    %dma_start3A_77 = arith.constant 640 : i32
    %dma_start3A_78 = tpu.memref_slice %arg7[%dma_start3A_77] : memref<1024xi32, #tpu.memory_space<vmem>> -> memref<128xi32, #tpu.memory_space<vmem>>
    %dma_start3A_79 = arith.constant 0 : i32
    %dma_start3A_80 = tpu.memref_slice %arg3[%dma_start3A_79] : memref<16777216xf32, #tpu.memory_space<hbm>> -> memref<16777216xf32, #tpu.memory_space<hbm>>
    tpu.enqueue_indirect_dma source(%dma_start3A_80 : memref<16777216xf32, #tpu.memory_space<hbm>>) target(%dma_start3A_76 : memref<128xf32, #tpu.memory_space<vmem>>) offsets(%dma_start3A_78 : memref<128xi32, #tpu.memory_space<vmem>>) semaphore(%arg12 : memref<!tpu.dma_semaphore, #tpu.memory_space<semaphore_mem>>)
    %dma_start3A_81 = arith.constant 768 : i32
    %dma_start3A_82 = tpu.memref_slice %arg9[%dma_start3A_81] : memref<1024xf32, #tpu.memory_space<vmem>> -> memref<128xf32, #tpu.memory_space<vmem>>
    %dma_start3A_83 = arith.constant 768 : i32
    %dma_start3A_84 = tpu.memref_slice %arg6[%dma_start3A_83] : memref<1024xi32, #tpu.memory_space<vmem>> -> memref<128xi32, #tpu.memory_space<vmem>>
    %dma_start3A_85 = arith.constant 0 : i32
    %dma_start3A_86 = tpu.memref_slice %arg3[%dma_start3A_85] : memref<16777216xf32, #tpu.memory_space<hbm>> -> memref<16777216xf32, #tpu.memory_space<hbm>>
    tpu.enqueue_indirect_dma source(%dma_start3A_86 : memref<16777216xf32, #tpu.memory_space<hbm>>) target(%dma_start3A_82 : memref<128xf32, #tpu.memory_space<vmem>>) offsets(%dma_start3A_84 : memref<128xi32, #tpu.memory_space<vmem>>) semaphore(%arg12 : memref<!tpu.dma_semaphore, #tpu.memory_space<semaphore_mem>>)
    %dma_start3A_87 = arith.constant 768 : i32
    %dma_start3A_88 = tpu.memref_slice %arg10[%dma_start3A_87] : memref<1024xf32, #tpu.memory_space<vmem>> -> memref<128xf32, #tpu.memory_space<vmem>>
    %dma_start3A_89 = arith.constant 768 : i32
    %dma_start3A_90 = tpu.memref_slice %arg7[%dma_start3A_89] : memref<1024xi32, #tpu.memory_space<vmem>> -> memref<128xi32, #tpu.memory_space<vmem>>
    %dma_start3A_91 = arith.constant 0 : i32
    %dma_start3A_92 = tpu.memref_slice %arg3[%dma_start3A_91] : memref<16777216xf32, #tpu.memory_space<hbm>> -> memref<16777216xf32, #tpu.memory_space<hbm>>
    tpu.enqueue_indirect_dma source(%dma_start3A_92 : memref<16777216xf32, #tpu.memory_space<hbm>>) target(%dma_start3A_88 : memref<128xf32, #tpu.memory_space<vmem>>) offsets(%dma_start3A_90 : memref<128xi32, #tpu.memory_space<vmem>>) semaphore(%arg12 : memref<!tpu.dma_semaphore, #tpu.memory_space<semaphore_mem>>)
    %dma_start3A_93 = arith.constant 896 : i32
    %dma_start3A_94 = tpu.memref_slice %arg9[%dma_start3A_93] : memref<1024xf32, #tpu.memory_space<vmem>> -> memref<128xf32, #tpu.memory_space<vmem>>
    %dma_start3A_95 = arith.constant 896 : i32
    %dma_start3A_96 = tpu.memref_slice %arg6[%dma_start3A_95] : memref<1024xi32, #tpu.memory_space<vmem>> -> memref<128xi32, #tpu.memory_space<vmem>>
    %dma_start3A_97 = arith.constant 0 : i32
    %dma_start3A_98 = tpu.memref_slice %arg3[%dma_start3A_97] : memref<16777216xf32, #tpu.memory_space<hbm>> -> memref<16777216xf32, #tpu.memory_space<hbm>>
    tpu.enqueue_indirect_dma source(%dma_start3A_98 : memref<16777216xf32, #tpu.memory_space<hbm>>) target(%dma_start3A_94 : memref<128xf32, #tpu.memory_space<vmem>>) offsets(%dma_start3A_96 : memref<128xi32, #tpu.memory_space<vmem>>) semaphore(%arg12 : memref<!tpu.dma_semaphore, #tpu.memory_space<semaphore_mem>>)
    %dma_start3A_99 = arith.constant 896 : i32
    %dma_start3A_100 = tpu.memref_slice %arg10[%dma_start3A_99] : memref<1024xf32, #tpu.memory_space<vmem>> -> memref<128xf32, #tpu.memory_space<vmem>>
    %dma_start3A_101 = arith.constant 896 : i32
    %dma_start3A_102 = tpu.memref_slice %arg7[%dma_start3A_101] : memref<1024xi32, #tpu.memory_space<vmem>> -> memref<128xi32, #tpu.memory_space<vmem>>
    %dma_start3A_103 = arith.constant 0 : i32
    %dma_start3A_104 = tpu.memref_slice %arg3[%dma_start3A_103] : memref<16777216xf32, #tpu.memory_space<hbm>> -> memref<16777216xf32, #tpu.memory_space<hbm>>
    tpu.enqueue_indirect_dma source(%dma_start3A_104 : memref<16777216xf32, #tpu.memory_space<hbm>>) target(%dma_start3A_100 : memref<128xf32, #tpu.memory_space<vmem>>) offsets(%dma_start3A_102 : memref<128xi32, #tpu.memory_space<vmem>>) semaphore(%arg12 : memref<!tpu.dma_semaphore, #tpu.memory_space<semaphore_mem>>)
    %scan3A_105 = arith.constant 0 : i32
    %scan3A_106 = arith.constant 0 : i32
    %scan3A_107 = arith.constant 64 : i32
    %scan3A_108 = arith.addi %scan3A_106, %scan3A_107 : i32
    %scan3A_109 = arith.constant 2 : i32
    scf.for %scan3A_214 = %scan3A_106 to %scan3A_108 step %scan3A_109  : i32 {
      %mul3A_215 = arith.constant 16 : i32
      %mul3A_216 = arith.muli %scan3A_214, %mul3A_215 : i32
      %add3A_217 = arith.addi %mul3A_2, %mul3A_216 : i32
      %get3A = arith.index_cast %add3A_217 : i32 to index
      %get3A_218 = tpu.vector_load %arg5[%get3A] {strides = array<i32>} : memref<32768xi32, #tpu.memory_space<vmem>>, vector<16xi32>,
      %add3A_219 = vector.broadcast %mul3A_216 : i32 to vector<16xi32>
      %add3A_220 = arith.addi %add3A_219, %iota3A : vector<16xi32>
      %shift_right_logical3A = arith.constant 3 : i32
      %shift_right_logical3A_221 = vector.broadcast %shift_right_logical3A : i32 to vector<16xi32>
      %shift_right_logical3A_222 = arith.shrui %add3A_220, %shift_right_logical3A_221 : vector<16xi32>
      %add3A_223 = vector.broadcast %mul3A_4 : i32 to vector<16xi32>
      %add3A_224 = arith.addi %add3A_223, %shift_right_logical3A_222 : vector<16xi32>
      %broadcast_in_dim3A_225 = arith.constant false
      %broadcast_in_dim3A_226 = vector.broadcast %broadcast_in_dim3A_225 : i1 to vector<16xi1>
      %mul3A_227 = arith.constant 8 : i32
      %mul3A_228 = vector.broadcast %mul3A_227 : i32 to vector<16xi32>
      %mul3A_229 = arith.muli %get3A_218, %mul3A_228 : vector<16xi32>
      %add3A_230 = arith.constant 0 : i32
      %add3A_231 = vector.broadcast %add3A_230 : i32 to vector<16xi32>
      %add3A_232 = arith.addi %mul3A_229, %add3A_231 : vector<16xi32>
      %gather3A = tpu.vector_load_idx %arg5[%add3A_232] : memref<32768xi32, #tpu.memory_space<vmem>>[vector<16xi32>], vector<16xi32>,
      %eq3A = arith.cmpi eq, %gather3A, %add3A_224 : vector<16xi32>
      %or3A = arith.ori %broadcast_in_dim3A_226, %eq3A : vector<16xi1>
      %mul3A_233 = arith.constant 8 : i32
      %mul3A_234 = vector.broadcast %mul3A_233 : i32 to vector<16xi32>
      %mul3A_235 = arith.muli %get3A_218, %mul3A_234 : vector<16xi32>
      %add3A_236 = arith.constant 1 : i32
      %add3A_237 = vector.broadcast %add3A_236 : i32 to vector<16xi32>
      %add3A_238 = arith.addi %mul3A_235, %add3A_237 : vector<16xi32>
      %gather3A_239 = tpu.vector_load_idx %arg5[%add3A_238] : memref<32768xi32, #tpu.memory_space<vmem>>[vector<16xi32>], vector<16xi32>,
      %eq3A_240 = arith.cmpi eq, %gather3A_239, %add3A_224 : vector<16xi32>
      %or3A_241 = arith.ori %or3A, %eq3A_240 : vector<16xi1>
      %mul3A_242 = arith.constant 8 : i32
      %mul3A_243 = vector.broadcast %mul3A_242 : i32 to vector<16xi32>
      %mul3A_244 = arith.muli %get3A_218, %mul3A_243 : vector<16xi32>
      %add3A_245 = arith.constant 2 : i32
      %add3A_246 = vector.broadcast %add3A_245 : i32 to vector<16xi32>
      %add3A_247 = arith.addi %mul3A_244, %add3A_246 : vector<16xi32>
      %gather3A_248 = tpu.vector_load_idx %arg5[%add3A_247] : memref<32768xi32, #tpu.memory_space<vmem>>[vector<16xi32>], vector<16xi32>,
      %eq3A_249 = arith.cmpi eq, %gather3A_248, %add3A_224 : vector<16xi32>
      %or3A_250 = arith.ori %or3A_241, %eq3A_249 : vector<16xi1>
      %mul3A_251 = arith.constant 8 : i32
      %mul3A_252 = vector.broadcast %mul3A_251 : i32 to vector<16xi32>
      %mul3A_253 = arith.muli %get3A_218, %mul3A_252 : vector<16xi32>
      %add3A_254 = arith.constant 3 : i32
      %add3A_255 = vector.broadcast %add3A_254 : i32 to vector<16xi32>
      %add3A_256 = arith.addi %mul3A_253, %add3A_255 : vector<16xi32>
      %gather3A_257 = tpu.vector_load_idx %arg5[%add3A_256] : memref<32768xi32, #tpu.memory_space<vmem>>[vector<16xi32>], vector<16xi32>,
      %eq3A_258 = arith.cmpi eq, %gather3A_257, %add3A_224 : vector<16xi32>
      %or3A_259 = arith.ori %or3A_250, %eq3A_258 : vector<16xi1>
      %mul3A_260 = arith.constant 8 : i32
      %mul3A_261 = vector.broadcast %mul3A_260 : i32 to vector<16xi32>
      %mul3A_262 = arith.muli %get3A_218, %mul3A_261 : vector<16xi32>
      %add3A_263 = arith.constant 4 : i32
      %add3A_264 = vector.broadcast %add3A_263 : i32 to vector<16xi32>
      %add3A_265 = arith.addi %mul3A_262, %add3A_264 : vector<16xi32>
      %gather3A_266 = tpu.vector_load_idx %arg5[%add3A_265] : memref<32768xi32, #tpu.memory_space<vmem>>[vector<16xi32>], vector<16xi32>,
      %eq3A_267 = arith.cmpi eq, %gather3A_266, %add3A_224 : vector<16xi32>
      %or3A_268 = arith.ori %or3A_259, %eq3A_267 : vector<16xi1>
      %mul3A_269 = arith.constant 8 : i32
      %mul3A_270 = vector.broadcast %mul3A_269 : i32 to vector<16xi32>
      %mul3A_271 = arith.muli %get3A_218, %mul3A_270 : vector<16xi32>
      %add3A_272 = arith.constant 5 : i32
      %add3A_273 = vector.broadcast %add3A_272 : i32 to vector<16xi32>
      %add3A_274 = arith.addi %mul3A_271, %add3A_273 : vector<16xi32>
      %gather3A_275 = tpu.vector_load_idx %arg5[%add3A_274] : memref<32768xi32, #tpu.memory_space<vmem>>[vector<16xi32>], vector<16xi32>,
      %eq3A_276 = arith.cmpi eq, %gather3A_275, %add3A_224 : vector<16xi32>
      %or3A_277 = arith.ori %or3A_268, %eq3A_276 : vector<16xi1>
      %mul3A_278 = arith.constant 8 : i32
      %mul3A_279 = vector.broadcast %mul3A_278 : i32 to vector<16xi32>
      %mul3A_280 = arith.muli %get3A_218, %mul3A_279 : vector<16xi32>
      %add3A_281 = arith.constant 6 : i32
      %add3A_282 = vector.broadcast %add3A_281 : i32 to vector<16xi32>
      %add3A_283 = arith.addi %mul3A_280, %add3A_282 : vector<16xi32>
      %gather3A_284 = tpu.vector_load_idx %arg5[%add3A_283] : memref<32768xi32, #tpu.memory_space<vmem>>[vector<16xi32>], vector<16xi32>,
      %eq3A_285 = arith.cmpi eq, %gather3A_284, %add3A_224 : vector<16xi32>
      %or3A_286 = arith.ori %or3A_277, %eq3A_285 : vector<16xi1>
      %mul3A_287 = arith.constant 8 : i32
      %mul3A_288 = vector.broadcast %mul3A_287 : i32 to vector<16xi32>
      %mul3A_289 = arith.muli %get3A_218, %mul3A_288 : vector<16xi32>
      %add3A_290 = arith.constant 7 : i32
      %add3A_291 = vector.broadcast %add3A_290 : i32 to vector<16xi32>
      %add3A_292 = arith.addi %mul3A_289, %add3A_291 : vector<16xi32>
      %gather3A_293 = tpu.vector_load_idx %arg5[%add3A_292] : memref<32768xi32, #tpu.memory_space<vmem>>[vector<16xi32>], vector<16xi32>,
      %eq3A_294 = arith.cmpi eq, %gather3A_293, %add3A_224 : vector<16xi32>
      %or3A_295 = arith.ori %or3A_286, %eq3A_294 : vector<16xi1>
      %jit3A = arith.constant 0.000000e+00 : f32
      %jit3A_296 = arith.constant 1.000000e+00 : f32
      %broadcast_in_dim3A_297 = vector.broadcast %jit3A : f32 to vector<16xf32>
      %broadcast_in_dim3A_298 = vector.broadcast %jit3A_296 : f32 to vector<16xf32>
      %select_n3A = arith.select %or3A_295, %broadcast_in_dim3A_297, %broadcast_in_dim3A_298 : vector<16xi1>, vector<16xf32>
      %swap3A_299 = arith.index_cast %mul3A_216 : i32 to index
      %swap3A_300 = tpu.vector_load %arg8[%swap3A_299] {strides = array<i32>} : memref<1024xf32, #tpu.memory_space<vmem>>, vector<16xf32>,
      tpu.vector_store %arg8[%swap3A_299], %select_n3A {strides = array<i32>} : memref<1024xf32, #tpu.memory_space<vmem>>, vector<16xf32>,
      %scan3A_301 = arith.constant 1 : i32
      %scan3A_302 = arith.addi %scan3A_214, %scan3A_301 : i32
      %mul3A_303 = arith.constant 16 : i32
      %mul3A_304 = arith.muli %scan3A_302, %mul3A_303 : i32
      %add3A_305 = arith.addi %mul3A_2, %mul3A_304 : i32
      %get3A_306 = arith.index_cast %add3A_305 : i32 to index
      %get3A_307 = tpu.vector_load %arg5[%get3A_306] {strides = array<i32>} : memref<32768xi32, #tpu.memory_space<vmem>>, vector<16xi32>,
      %add3A_308 = vector.broadcast %mul3A_304 : i32 to vector<16xi32>
      %add3A_309 = arith.addi %add3A_308, %iota3A : vector<16xi32>
      %shift_right_logical3A_310 = arith.constant 3 : i32
      %shift_right_logical3A_311 = vector.broadcast %shift_right_logical3A_310 : i32 to vector<16xi32>
      %shift_right_logical3A_312 = arith.shrui %add3A_309, %shift_right_logical3A_311 : vector<16xi32>
      %add3A_313 = vector.broadcast %mul3A_4 : i32 to vector<16xi32>
      %add3A_314 = arith.addi %add3A_313, %shift_right_logical3A_312 : vector<16xi32>
      %broadcast_in_dim3A_315 = arith.constant false
      %broadcast_in_dim3A_316 = vector.broadcast %broadcast_in_dim3A_315 : i1 to vector<16xi1>
      %mul3A_317 = arith.constant 8 : i32
      %mul3A_318 = vector.broadcast %mul3A_317 : i32 to vector<16xi32>
      %mul3A_319 = arith.muli %get3A_307, %mul3A_318 : vector<16xi32>
      %add3A_320 = arith.constant 0 : i32
      %add3A_321 = vector.broadcast %add3A_320 : i32 to vector<16xi32>
      %add3A_322 = arith.addi %mul3A_319, %add3A_321 : vector<16xi32>
      %gather3A_323 = tpu.vector_load_idx %arg5[%add3A_322] : memref<32768xi32, #tpu.memory_space<vmem>>[vector<16xi32>], vector<16xi32>,
      %eq3A_324 = arith.cmpi eq, %gather3A_323, %add3A_314 : vector<16xi32>
      %or3A_325 = arith.ori %broadcast_in_dim3A_316, %eq3A_324 : vector<16xi1>
      %mul3A_326 = arith.constant 8 : i32
      %mul3A_327 = vector.broadcast %mul3A_326 : i32 to vector<16xi32>
      %mul3A_328 = arith.muli %get3A_307, %mul3A_327 : vector<16xi32>
      %add3A_329 = arith.constant 1 : i32
      %add3A_330 = vector.broadcast %add3A_329 : i32 to vector<16xi32>
      %add3A_331 = arith.addi %mul3A_328, %add3A_330 : vector<16xi32>
      %gather3A_332 = tpu.vector_load_idx %arg5[%add3A_331] : memref<32768xi32, #tpu.memory_space<vmem>>[vector<16xi32>], vector<16xi32>,
      %eq3A_333 = arith.cmpi eq, %gather3A_332, %add3A_314 : vector<16xi32>
      %or3A_334 = arith.ori %or3A_325, %eq3A_333 : vector<16xi1>
      %mul3A_335 = arith.constant 8 : i32
      %mul3A_336 = vector.broadcast %mul3A_335 : i32 to vector<16xi32>
      %mul3A_337 = arith.muli %get3A_307, %mul3A_336 : vector<16xi32>
      %add3A_338 = arith.constant 2 : i32
      %add3A_339 = vector.broadcast %add3A_338 : i32 to vector<16xi32>
      %add3A_340 = arith.addi %mul3A_337, %add3A_339 : vector<16xi32>
      %gather3A_341 = tpu.vector_load_idx %arg5[%add3A_340] : memref<32768xi32, #tpu.memory_space<vmem>>[vector<16xi32>], vector<16xi32>,
      %eq3A_342 = arith.cmpi eq, %gather3A_341, %add3A_314 : vector<16xi32>
      %or3A_343 = arith.ori %or3A_334, %eq3A_342 : vector<16xi1>
      %mul3A_344 = arith.constant 8 : i32
      %mul3A_345 = vector.broadcast %mul3A_344 : i32 to vector<16xi32>
      %mul3A_346 = arith.muli %get3A_307, %mul3A_345 : vector<16xi32>
      %add3A_347 = arith.constant 3 : i32
      %add3A_348 = vector.broadcast %add3A_347 : i32 to vector<16xi32>
      %add3A_349 = arith.addi %mul3A_346, %add3A_348 : vector<16xi32>
      %gather3A_350 = tpu.vector_load_idx %arg5[%add3A_349] : memref<32768xi32, #tpu.memory_space<vmem>>[vector<16xi32>], vector<16xi32>,
      %eq3A_351 = arith.cmpi eq, %gather3A_350, %add3A_314 : vector<16xi32>
      %or3A_352 = arith.ori %or3A_343, %eq3A_351 : vector<16xi1>
      %mul3A_353 = arith.constant 8 : i32
      %mul3A_354 = vector.broadcast %mul3A_353 : i32 to vector<16xi32>
      %mul3A_355 = arith.muli %get3A_307, %mul3A_354 : vector<16xi32>
      %add3A_356 = arith.constant 4 : i32
      %add3A_357 = vector.broadcast %add3A_356 : i32 to vector<16xi32>
      %add3A_358 = arith.addi %mul3A_355, %add3A_357 : vector<16xi32>
      %gather3A_359 = tpu.vector_load_idx %arg5[%add3A_358] : memref<32768xi32, #tpu.memory_space<vmem>>[vector<16xi32>], vector<16xi32>,
      %eq3A_360 = arith.cmpi eq, %gather3A_359, %add3A_314 : vector<16xi32>
      %or3A_361 = arith.ori %or3A_352, %eq3A_360 : vector<16xi1>
      %mul3A_362 = arith.constant 8 : i32
      %mul3A_363 = vector.broadcast %mul3A_362 : i32 to vector<16xi32>
      %mul3A_364 = arith.muli %get3A_307, %mul3A_363 : vector<16xi32>
      %add3A_365 = arith.constant 5 : i32
      %add3A_366 = vector.broadcast %add3A_365 : i32 to vector<16xi32>
      %add3A_367 = arith.addi %mul3A_364, %add3A_366 : vector<16xi32>
      %gather3A_368 = tpu.vector_load_idx %arg5[%add3A_367] : memref<32768xi32, #tpu.memory_space<vmem>>[vector<16xi32>], vector<16xi32>,
      %eq3A_369 = arith.cmpi eq, %gather3A_368, %add3A_314 : vector<16xi32>
      %or3A_370 = arith.ori %or3A_361, %eq3A_369 : vector<16xi1>
      %mul3A_371 = arith.constant 8 : i32
      %mul3A_372 = vector.broadcast %mul3A_371 : i32 to vector<16xi32>
      %mul3A_373 = arith.muli %get3A_307, %mul3A_372 : vector<16xi32>
      %add3A_374 = arith.constant 6 : i32
      %add3A_375 = vector.broadcast %add3A_374 : i32 to vector<16xi32>
      %add3A_376 = arith.addi %mul3A_373, %add3A_375 : vector<16xi32>
      %gather3A_377 = tpu.vector_load_idx %arg5[%add3A_376] : memref<32768xi32, #tpu.memory_space<vmem>>[vector<16xi32>], vector<16xi32>,
      %eq3A_378 = arith.cmpi eq, %gather3A_377, %add3A_314 : vector<16xi32>
      %or3A_379 = arith.ori %or3A_370, %eq3A_378 : vector<16xi1>
      %mul3A_380 = arith.constant 8 : i32
      %mul3A_381 = vector.broadcast %mul3A_380 : i32 to vector<16xi32>
      %mul3A_382 = arith.muli %get3A_307, %mul3A_381 : vector<16xi32>
      %add3A_383 = arith.constant 7 : i32
      %add3A_384 = vector.broadcast %add3A_383 : i32 to vector<16xi32>
      %add3A_385 = arith.addi %mul3A_382, %add3A_384 : vector<16xi32>
      %gather3A_386 = tpu.vector_load_idx %arg5[%add3A_385] : memref<32768xi32, #tpu.memory_space<vmem>>[vector<16xi32>], vector<16xi32>,
      %eq3A_387 = arith.cmpi eq, %gather3A_386, %add3A_314 : vector<16xi32>
      %or3A_388 = arith.ori %or3A_379, %eq3A_387 : vector<16xi1>
      %jit3A_389 = arith.constant 0.000000e+00 : f32
      %jit3A_390 = arith.constant 1.000000e+00 : f32
      %broadcast_in_dim3A_391 = vector.broadcast %jit3A_389 : f32 to vector<16xf32>
      %broadcast_in_dim3A_392 = vector.broadcast %jit3A_390 : f32 to vector<16xf32>
      %select_n3A_393 = arith.select %or3A_388, %broadcast_in_dim3A_391, %broadcast_in_dim3A_392 : vector<16xi1>, vector<16xf32>
      %swap3A_394 = arith.index_cast %mul3A_304 : i32 to index
      %swap3A_395 = tpu.vector_load %arg8[%swap3A_394] {strides = array<i32>} : memref<1024xf32, #tpu.memory_space<vmem>>, vector<16xf32>,
      tpu.vector_store %arg8[%swap3A_394], %select_n3A_393 {strides = array<i32>} : memref<1024xf32, #tpu.memory_space<vmem>>, vector<16xf32>,
    }
    %scan3A_110 = arith.constant 64 : i32
    %dma_wait3A = arith.constant 0 : i32
    %dma_wait3A_111 = tpu.memref_slice %arg9[%dma_wait3A] : memref<1024xf32, #tpu.memory_space<vmem>> -> memref<128xf32, #tpu.memory_space<vmem>>
    %dma_wait3A_112 = arith.constant 0 : i32
    %dma_wait3A_113 = tpu.memref_slice %arg6[%dma_wait3A_112] : memref<1024xi32, #tpu.memory_space<vmem>> -> memref<128xi32, #tpu.memory_space<vmem>>
    %dma_wait3A_114 = arith.constant 0 : i32
    %dma_wait3A_115 = tpu.memref_slice %arg3[%dma_wait3A_114] : memref<16777216xf32, #tpu.memory_space<hbm>> -> memref<16777216xf32, #tpu.memory_space<hbm>>
    tpu.wait_indirect_dma semaphore(%arg12 : memref<!tpu.dma_semaphore, #tpu.memory_space<semaphore_mem>>) src(%dma_wait3A_115 : memref<16777216xf32, #tpu.memory_space<hbm>>) dst(%dma_wait3A_111 : memref<128xf32, #tpu.memory_space<vmem>>)
    %dma_wait3A_116 = arith.constant 0 : i32
    %dma_wait3A_117 = tpu.memref_slice %arg10[%dma_wait3A_116] : memref<1024xf32, #tpu.memory_space<vmem>> -> memref<128xf32, #tpu.memory_space<vmem>>
    %dma_wait3A_118 = arith.constant 0 : i32
    %dma_wait3A_119 = tpu.memref_slice %arg7[%dma_wait3A_118] : memref<1024xi32, #tpu.memory_space<vmem>> -> memref<128xi32, #tpu.memory_space<vmem>>
    %dma_wait3A_120 = arith.constant 0 : i32
    %dma_wait3A_121 = tpu.memref_slice %arg3[%dma_wait3A_120] : memref<16777216xf32, #tpu.memory_space<hbm>> -> memref<16777216xf32, #tpu.memory_space<hbm>>
    tpu.wait_indirect_dma semaphore(%arg12 : memref<!tpu.dma_semaphore, #tpu.memory_space<semaphore_mem>>) src(%dma_wait3A_121 : memref<16777216xf32, #tpu.memory_space<hbm>>) dst(%dma_wait3A_117 : memref<128xf32, #tpu.memory_space<vmem>>)
    %dma_wait3A_122 = arith.constant 128 : i32
    %dma_wait3A_123 = tpu.memref_slice %arg9[%dma_wait3A_122] : memref<1024xf32, #tpu.memory_space<vmem>> -> memref<128xf32, #tpu.memory_space<vmem>>
    %dma_wait3A_124 = arith.constant 128 : i32
    %dma_wait3A_125 = tpu.memref_slice %arg6[%dma_wait3A_124] : memref<1024xi32, #tpu.memory_space<vmem>> -> memref<128xi32, #tpu.memory_space<vmem>>
    %dma_wait3A_126 = arith.constant 0 : i32
    %dma_wait3A_127 = tpu.memref_slice %arg3[%dma_wait3A_126] : memref<16777216xf32, #tpu.memory_space<hbm>> -> memref<16777216xf32, #tpu.memory_space<hbm>>
    tpu.wait_indirect_dma semaphore(%arg12 : memref<!tpu.dma_semaphore, #tpu.memory_space<semaphore_mem>>) src(%dma_wait3A_127 : memref<16777216xf32, #tpu.memory_space<hbm>>) dst(%dma_wait3A_123 : memref<128xf32, #tpu.memory_space<vmem>>)
    %dma_wait3A_128 = arith.constant 128 : i32
    %dma_wait3A_129 = tpu.memref_slice %arg10[%dma_wait3A_128] : memref<1024xf32, #tpu.memory_space<vmem>> -> memref<128xf32, #tpu.memory_space<vmem>>
    %dma_wait3A_130 = arith.constant 128 : i32
    %dma_wait3A_131 = tpu.memref_slice %arg7[%dma_wait3A_130] : memref<1024xi32, #tpu.memory_space<vmem>> -> memref<128xi32, #tpu.memory_space<vmem>>
    %dma_wait3A_132 = arith.constant 0 : i32
    %dma_wait3A_133 = tpu.memref_slice %arg3[%dma_wait3A_132] : memref<16777216xf32, #tpu.memory_space<hbm>> -> memref<16777216xf32, #tpu.memory_space<hbm>>
    tpu.wait_indirect_dma semaphore(%arg12 : memref<!tpu.dma_semaphore, #tpu.memory_space<semaphore_mem>>) src(%dma_wait3A_133 : memref<16777216xf32, #tpu.memory_space<hbm>>) dst(%dma_wait3A_129 : memref<128xf32, #tpu.memory_space<vmem>>)
    %dma_wait3A_134 = arith.constant 256 : i32
    %dma_wait3A_135 = tpu.memref_slice %arg9[%dma_wait3A_134] : memref<1024xf32, #tpu.memory_space<vmem>> -> memref<128xf32, #tpu.memory_space<vmem>>
    %dma_wait3A_136 = arith.constant 256 : i32
    %dma_wait3A_137 = tpu.memref_slice %arg6[%dma_wait3A_136] : memref<1024xi32, #tpu.memory_space<vmem>> -> memref<128xi32, #tpu.memory_space<vmem>>
    %dma_wait3A_138 = arith.constant 0 : i32
    %dma_wait3A_139 = tpu.memref_slice %arg3[%dma_wait3A_138] : memref<16777216xf32, #tpu.memory_space<hbm>> -> memref<16777216xf32, #tpu.memory_space<hbm>>
    tpu.wait_indirect_dma semaphore(%arg12 : memref<!tpu.dma_semaphore, #tpu.memory_space<semaphore_mem>>) src(%dma_wait3A_139 : memref<16777216xf32, #tpu.memory_space<hbm>>) dst(%dma_wait3A_135 : memref<128xf32, #tpu.memory_space<vmem>>)
    %dma_wait3A_140 = arith.constant 256 : i32
    %dma_wait3A_141 = tpu.memref_slice %arg10[%dma_wait3A_140] : memref<1024xf32, #tpu.memory_space<vmem>> -> memref<128xf32, #tpu.memory_space<vmem>>
    %dma_wait3A_142 = arith.constant 256 : i32
    %dma_wait3A_143 = tpu.memref_slice %arg7[%dma_wait3A_142] : memref<1024xi32, #tpu.memory_space<vmem>> -> memref<128xi32, #tpu.memory_space<vmem>>
    %dma_wait3A_144 = arith.constant 0 : i32
    %dma_wait3A_145 = tpu.memref_slice %arg3[%dma_wait3A_144] : memref<16777216xf32, #tpu.memory_space<hbm>> -> memref<16777216xf32, #tpu.memory_space<hbm>>
    tpu.wait_indirect_dma semaphore(%arg12 : memref<!tpu.dma_semaphore, #tpu.memory_space<semaphore_mem>>) src(%dma_wait3A_145 : memref<16777216xf32, #tpu.memory_space<hbm>>) dst(%dma_wait3A_141 : memref<128xf32, #tpu.memory_space<vmem>>)
    %dma_wait3A_146 = arith.constant 384 : i32
    %dma_wait3A_147 = tpu.memref_slice %arg9[%dma_wait3A_146] : memref<1024xf32, #tpu.memory_space<vmem>> -> memref<128xf32, #tpu.memory_space<vmem>>
    %dma_wait3A_148 = arith.constant 384 : i32
    %dma_wait3A_149 = tpu.memref_slice %arg6[%dma_wait3A_148] : memref<1024xi32, #tpu.memory_space<vmem>> -> memref<128xi32, #tpu.memory_space<vmem>>
    %dma_wait3A_150 = arith.constant 0 : i32
    %dma_wait3A_151 = tpu.memref_slice %arg3[%dma_wait3A_150] : memref<16777216xf32, #tpu.memory_space<hbm>> -> memref<16777216xf32, #tpu.memory_space<hbm>>
    tpu.wait_indirect_dma semaphore(%arg12 : memref<!tpu.dma_semaphore, #tpu.memory_space<semaphore_mem>>) src(%dma_wait3A_151 : memref<16777216xf32, #tpu.memory_space<hbm>>) dst(%dma_wait3A_147 : memref<128xf32, #tpu.memory_space<vmem>>)
    %dma_wait3A_152 = arith.constant 384 : i32
    %dma_wait3A_153 = tpu.memref_slice %arg10[%dma_wait3A_152] : memref<1024xf32, #tpu.memory_space<vmem>> -> memref<128xf32, #tpu.memory_space<vmem>>
    %dma_wait3A_154 = arith.constant 384 : i32
    %dma_wait3A_155 = tpu.memref_slice %arg7[%dma_wait3A_154] : memref<1024xi32, #tpu.memory_space<vmem>> -> memref<128xi32, #tpu.memory_space<vmem>>
    %dma_wait3A_156 = arith.constant 0 : i32
    %dma_wait3A_157 = tpu.memref_slice %arg3[%dma_wait3A_156] : memref<16777216xf32, #tpu.memory_space<hbm>> -> memref<16777216xf32, #tpu.memory_space<hbm>>
    tpu.wait_indirect_dma semaphore(%arg12 : memref<!tpu.dma_semaphore, #tpu.memory_space<semaphore_mem>>) src(%dma_wait3A_157 : memref<16777216xf32, #tpu.memory_space<hbm>>) dst(%dma_wait3A_153 : memref<128xf32, #tpu.memory_space<vmem>>)
    %dma_wait3A_158 = arith.constant 512 : i32
    %dma_wait3A_159 = tpu.memref_slice %arg9[%dma_wait3A_158] : memref<1024xf32, #tpu.memory_space<vmem>> -> memref<128xf32, #tpu.memory_space<vmem>>
    %dma_wait3A_160 = arith.constant 512 : i32
    %dma_wait3A_161 = tpu.memref_slice %arg6[%dma_wait3A_160] : memref<1024xi32, #tpu.memory_space<vmem>> -> memref<128xi32, #tpu.memory_space<vmem>>
    %dma_wait3A_162 = arith.constant 0 : i32
    %dma_wait3A_163 = tpu.memref_slice %arg3[%dma_wait3A_162] : memref<16777216xf32, #tpu.memory_space<hbm>> -> memref<16777216xf32, #tpu.memory_space<hbm>>
    tpu.wait_indirect_dma semaphore(%arg12 : memref<!tpu.dma_semaphore, #tpu.memory_space<semaphore_mem>>) src(%dma_wait3A_163 : memref<16777216xf32, #tpu.memory_space<hbm>>) dst(%dma_wait3A_159 : memref<128xf32, #tpu.memory_space<vmem>>)
    %dma_wait3A_164 = arith.constant 512 : i32
    %dma_wait3A_165 = tpu.memref_slice %arg10[%dma_wait3A_164] : memref<1024xf32, #tpu.memory_space<vmem>> -> memref<128xf32, #tpu.memory_space<vmem>>
    %dma_wait3A_166 = arith.constant 512 : i32
    %dma_wait3A_167 = tpu.memref_slice %arg7[%dma_wait3A_166] : memref<1024xi32, #tpu.memory_space<vmem>> -> memref<128xi32, #tpu.memory_space<vmem>>
    %dma_wait3A_168 = arith.constant 0 : i32
    %dma_wait3A_169 = tpu.memref_slice %arg3[%dma_wait3A_168] : memref<16777216xf32, #tpu.memory_space<hbm>> -> memref<16777216xf32, #tpu.memory_space<hbm>>
    tpu.wait_indirect_dma semaphore(%arg12 : memref<!tpu.dma_semaphore, #tpu.memory_space<semaphore_mem>>) src(%dma_wait3A_169 : memref<16777216xf32, #tpu.memory_space<hbm>>) dst(%dma_wait3A_165 : memref<128xf32, #tpu.memory_space<vmem>>)
    %dma_wait3A_170 = arith.constant 640 : i32
    %dma_wait3A_171 = tpu.memref_slice %arg9[%dma_wait3A_170] : memref<1024xf32, #tpu.memory_space<vmem>> -> memref<128xf32, #tpu.memory_space<vmem>>
    %dma_wait3A_172 = arith.constant 640 : i32
    %dma_wait3A_173 = tpu.memref_slice %arg6[%dma_wait3A_172] : memref<1024xi32, #tpu.memory_space<vmem>> -> memref<128xi32, #tpu.memory_space<vmem>>
    %dma_wait3A_174 = arith.constant 0 : i32
    %dma_wait3A_175 = tpu.memref_slice %arg3[%dma_wait3A_174] : memref<16777216xf32, #tpu.memory_space<hbm>> -> memref<16777216xf32, #tpu.memory_space<hbm>>
    tpu.wait_indirect_dma semaphore(%arg12 : memref<!tpu.dma_semaphore, #tpu.memory_space<semaphore_mem>>) src(%dma_wait3A_175 : memref<16777216xf32, #tpu.memory_space<hbm>>) dst(%dma_wait3A_171 : memref<128xf32, #tpu.memory_space<vmem>>)
    %dma_wait3A_176 = arith.constant 640 : i32
    %dma_wait3A_177 = tpu.memref_slice %arg10[%dma_wait3A_176] : memref<1024xf32, #tpu.memory_space<vmem>> -> memref<128xf32, #tpu.memory_space<vmem>>
    %dma_wait3A_178 = arith.constant 640 : i32
    %dma_wait3A_179 = tpu.memref_slice %arg7[%dma_wait3A_178] : memref<1024xi32, #tpu.memory_space<vmem>> -> memref<128xi32, #tpu.memory_space<vmem>>
    %dma_wait3A_180 = arith.constant 0 : i32
    %dma_wait3A_181 = tpu.memref_slice %arg3[%dma_wait3A_180] : memref<16777216xf32, #tpu.memory_space<hbm>> -> memref<16777216xf32, #tpu.memory_space<hbm>>
    tpu.wait_indirect_dma semaphore(%arg12 : memref<!tpu.dma_semaphore, #tpu.memory_space<semaphore_mem>>) src(%dma_wait3A_181 : memref<16777216xf32, #tpu.memory_space<hbm>>) dst(%dma_wait3A_177 : memref<128xf32, #tpu.memory_space<vmem>>)
    %dma_wait3A_182 = arith.constant 768 : i32
    %dma_wait3A_183 = tpu.memref_slice %arg9[%dma_wait3A_182] : memref<1024xf32, #tpu.memory_space<vmem>> -> memref<128xf32, #tpu.memory_space<vmem>>
    %dma_wait3A_184 = arith.constant 768 : i32
    %dma_wait3A_185 = tpu.memref_slice %arg6[%dma_wait3A_184] : memref<1024xi32, #tpu.memory_space<vmem>> -> memref<128xi32, #tpu.memory_space<vmem>>
    %dma_wait3A_186 = arith.constant 0 : i32
    %dma_wait3A_187 = tpu.memref_slice %arg3[%dma_wait3A_186] : memref<16777216xf32, #tpu.memory_space<hbm>> -> memref<16777216xf32, #tpu.memory_space<hbm>>
    tpu.wait_indirect_dma semaphore(%arg12 : memref<!tpu.dma_semaphore, #tpu.memory_space<semaphore_mem>>) src(%dma_wait3A_187 : memref<16777216xf32, #tpu.memory_space<hbm>>) dst(%dma_wait3A_183 : memref<128xf32, #tpu.memory_space<vmem>>)
    %dma_wait3A_188 = arith.constant 768 : i32
    %dma_wait3A_189 = tpu.memref_slice %arg10[%dma_wait3A_188] : memref<1024xf32, #tpu.memory_space<vmem>> -> memref<128xf32, #tpu.memory_space<vmem>>
    %dma_wait3A_190 = arith.constant 768 : i32
    %dma_wait3A_191 = tpu.memref_slice %arg7[%dma_wait3A_190] : memref<1024xi32, #tpu.memory_space<vmem>> -> memref<128xi32, #tpu.memory_space<vmem>>
    %dma_wait3A_192 = arith.constant 0 : i32
    %dma_wait3A_193 = tpu.memref_slice %arg3[%dma_wait3A_192] : memref<16777216xf32, #tpu.memory_space<hbm>> -> memref<16777216xf32, #tpu.memory_space<hbm>>
    tpu.wait_indirect_dma semaphore(%arg12 : memref<!tpu.dma_semaphore, #tpu.memory_space<semaphore_mem>>) src(%dma_wait3A_193 : memref<16777216xf32, #tpu.memory_space<hbm>>) dst(%dma_wait3A_189 : memref<128xf32, #tpu.memory_space<vmem>>)
    %dma_wait3A_194 = arith.constant 896 : i32
    %dma_wait3A_195 = tpu.memref_slice %arg9[%dma_wait3A_194] : memref<1024xf32, #tpu.memory_space<vmem>> -> memref<128xf32, #tpu.memory_space<vmem>>
    %dma_wait3A_196 = arith.constant 896 : i32
    %dma_wait3A_197 = tpu.memref_slice %arg6[%dma_wait3A_196] : memref<1024xi32, #tpu.memory_space<vmem>> -> memref<128xi32, #tpu.memory_space<vmem>>
    %dma_wait3A_198 = arith.constant 0 : i32
    %dma_wait3A_199 = tpu.memref_slice %arg3[%dma_wait3A_198] : memref<16777216xf32, #tpu.memory_space<hbm>> -> memref<16777216xf32, #tpu.memory_space<hbm>>
    tpu.wait_indirect_dma semaphore(%arg12 : memref<!tpu.dma_semaphore, #tpu.memory_space<semaphore_mem>>) src(%dma_wait3A_199 : memref<16777216xf32, #tpu.memory_space<hbm>>) dst(%dma_wait3A_195 : memref<128xf32, #tpu.memory_space<vmem>>)
    %dma_wait3A_200 = arith.constant 896 : i32
    %dma_wait3A_201 = tpu.memref_slice %arg10[%dma_wait3A_200] : memref<1024xf32, #tpu.memory_space<vmem>> -> memref<128xf32, #tpu.memory_space<vmem>>
    %dma_wait3A_202 = arith.constant 896 : i32
    %dma_wait3A_203 = tpu.memref_slice %arg7[%dma_wait3A_202] : memref<1024xi32, #tpu.memory_space<vmem>> -> memref<128xi32, #tpu.memory_space<vmem>>
    %dma_wait3A_204 = arith.constant 0 : i32
    %dma_wait3A_205 = tpu.memref_slice %arg3[%dma_wait3A_204] : memref<16777216xf32, #tpu.memory_space<hbm>> -> memref<16777216xf32, #tpu.memory_space<hbm>>
    tpu.wait_indirect_dma semaphore(%arg12 : memref<!tpu.dma_semaphore, #tpu.memory_space<semaphore_mem>>) src(%dma_wait3A_205 : memref<16777216xf32, #tpu.memory_space<hbm>>) dst(%dma_wait3A_201 : memref<128xf32, #tpu.memory_space<vmem>>)
    %broadcast_in_dim3A = arith.constant 0.000000e+00 : f32
    %broadcast_in_dim3A_206 = vector.broadcast %broadcast_in_dim3A : f32 to vector<16xf32>
    %scan3A_207 = arith.constant 0 : i32
    %scan3A_208 = arith.constant 64 : i32
    %scan3A_209 = arith.addi %scan3A_207, %scan3A_208 : i32
    %scan3A_210 = arith.constant 4 : i32
    %scan3A_211 = scf.for %scan3A_214 = %scan3A_207 to %scan3A_209 step %scan3A_210 iter_args(%scan3A_215 = %broadcast_in_dim3A_206) -> (vector<16xf32>)  : i32 {
      %mul3A_216 = arith.constant 16 : i32
      %mul3A_217 = arith.muli %scan3A_214, %mul3A_216 : i32
      %get3A = arith.index_cast %mul3A_217 : i32 to index
      %get3A_218 = tpu.vector_load %arg9[%get3A] {strides = array<i32>} : memref<1024xf32, #tpu.memory_space<vmem>>, vector<16xf32>,
      %mul3A_219 = arith.constant 2.000000e+00 : f32
      %mul3A_220 = vector.broadcast %mul3A_219 : f32 to vector<16xf32>
      %mul3A_221 = arith.mulf %mul3A_220, %get3A_218 : vector<16xf32>
      %sub3A = arith.constant 1.000000e+00 : f32
      %sub3A_222 = vector.broadcast %sub3A : f32 to vector<16xf32>
      %sub3A_223 = arith.subf %sub3A_222, %mul3A_221 : vector<16xf32>
      %add3A_224 = arith.addf %scan3A_215, %sub3A_223 : vector<16xf32>
      %get3A_225 = arith.index_cast %mul3A_217 : i32 to index
      %get3A_226 = tpu.vector_load %arg8[%get3A_225] {strides = array<i32>} : memref<1024xf32, #tpu.memory_space<vmem>>, vector<16xf32>,
      %get3A_227 = arith.index_cast %mul3A_217 : i32 to index
      %get3A_228 = tpu.vector_load %arg10[%get3A_227] {strides = array<i32>} : memref<1024xf32, #tpu.memory_space<vmem>>, vector<16xf32>,
      %mul3A_229 = arith.constant 2.000000e+00 : f32
      %mul3A_230 = vector.broadcast %mul3A_229 : f32 to vector<16xf32>
      %mul3A_231 = arith.mulf %mul3A_230, %get3A_228 : vector<16xf32>
      %sub3A_232 = arith.constant 1.000000e+00 : f32
      %sub3A_233 = vector.broadcast %sub3A_232 : f32 to vector<16xf32>
      %sub3A_234 = arith.subf %sub3A_233, %mul3A_231 : vector<16xf32>
      %mul3A_235 = arith.mulf %get3A_226, %sub3A_234 : vector<16xf32>
      %add3A_236 = arith.addf %add3A_224, %mul3A_235 : vector<16xf32>
      %scan3A_237 = arith.constant 1 : i32
      %scan3A_238 = arith.addi %scan3A_214, %scan3A_237 : i32
      %mul3A_239 = arith.constant 16 : i32
      %mul3A_240 = arith.muli %scan3A_238, %mul3A_239 : i32
      %get3A_241 = arith.index_cast %mul3A_240 : i32 to index
      %get3A_242 = tpu.vector_load %arg9[%get3A_241] {strides = array<i32>} : memref<1024xf32, #tpu.memory_space<vmem>>, vector<16xf32>,
      %mul3A_243 = arith.constant 2.000000e+00 : f32
      %mul3A_244 = vector.broadcast %mul3A_243 : f32 to vector<16xf32>
      %mul3A_245 = arith.mulf %mul3A_244, %get3A_242 : vector<16xf32>
      %sub3A_246 = arith.constant 1.000000e+00 : f32
      %sub3A_247 = vector.broadcast %sub3A_246 : f32 to vector<16xf32>
      %sub3A_248 = arith.subf %sub3A_247, %mul3A_245 : vector<16xf32>
      %add3A_249 = arith.addf %add3A_236, %sub3A_248 : vector<16xf32>
      %get3A_250 = arith.index_cast %mul3A_240 : i32 to index
      %get3A_251 = tpu.vector_load %arg8[%get3A_250] {strides = array<i32>} : memref<1024xf32, #tpu.memory_space<vmem>>, vector<16xf32>,
      %get3A_252 = arith.index_cast %mul3A_240 : i32 to index
      %get3A_253 = tpu.vector_load %arg10[%get3A_252] {strides = array<i32>} : memref<1024xf32, #tpu.memory_space<vmem>>, vector<16xf32>,
      %mul3A_254 = arith.constant 2.000000e+00 : f32
      %mul3A_255 = vector.broadcast %mul3A_254 : f32 to vector<16xf32>
      %mul3A_256 = arith.mulf %mul3A_255, %get3A_253 : vector<16xf32>
      %sub3A_257 = arith.constant 1.000000e+00 : f32
      %sub3A_258 = vector.broadcast %sub3A_257 : f32 to vector<16xf32>
      %sub3A_259 = arith.subf %sub3A_258, %mul3A_256 : vector<16xf32>
      %mul3A_260 = arith.mulf %get3A_251, %sub3A_259 : vector<16xf32>
      %add3A_261 = arith.addf %add3A_249, %mul3A_260 : vector<16xf32>
      %scan3A_262 = arith.constant 2 : i32
      %scan3A_263 = arith.addi %scan3A_214, %scan3A_262 : i32
      %mul3A_264 = arith.constant 16 : i32
      %mul3A_265 = arith.muli %scan3A_263, %mul3A_264 : i32
      %get3A_266 = arith.index_cast %mul3A_265 : i32 to index
      %get3A_267 = tpu.vector_load %arg9[%get3A_266] {strides = array<i32>} : memref<1024xf32, #tpu.memory_space<vmem>>, vector<16xf32>,
      %mul3A_268 = arith.constant 2.000000e+00 : f32
      %mul3A_269 = vector.broadcast %mul3A_268 : f32 to vector<16xf32>
      %mul3A_270 = arith.mulf %mul3A_269, %get3A_267 : vector<16xf32>
      %sub3A_271 = arith.constant 1.000000e+00 : f32
      %sub3A_272 = vector.broadcast %sub3A_271 : f32 to vector<16xf32>
      %sub3A_273 = arith.subf %sub3A_272, %mul3A_270 : vector<16xf32>
      %add3A_274 = arith.addf %add3A_261, %sub3A_273 : vector<16xf32>
      %get3A_275 = arith.index_cast %mul3A_265 : i32 to index
      %get3A_276 = tpu.vector_load %arg8[%get3A_275] {strides = array<i32>} : memref<1024xf32, #tpu.memory_space<vmem>>, vector<16xf32>,
      %get3A_277 = arith.index_cast %mul3A_265 : i32 to index
      %get3A_278 = tpu.vector_load %arg10[%get3A_277] {strides = array<i32>} : memref<1024xf32, #tpu.memory_space<vmem>>, vector<16xf32>,
      %mul3A_279 = arith.constant 2.000000e+00 : f32
      %mul3A_280 = vector.broadcast %mul3A_279 : f32 to vector<16xf32>
      %mul3A_281 = arith.mulf %mul3A_280, %get3A_278 : vector<16xf32>
      %sub3A_282 = arith.constant 1.000000e+00 : f32
      %sub3A_283 = vector.broadcast %sub3A_282 : f32 to vector<16xf32>
      %sub3A_284 = arith.subf %sub3A_283, %mul3A_281 : vector<16xf32>
      %mul3A_285 = arith.mulf %get3A_276, %sub3A_284 : vector<16xf32>
      %add3A_286 = arith.addf %add3A_274, %mul3A_285 : vector<16xf32>
      %scan3A_287 = arith.constant 3 : i32
      %scan3A_288 = arith.addi %scan3A_214, %scan3A_287 : i32
      %mul3A_289 = arith.constant 16 : i32
      %mul3A_290 = arith.muli %scan3A_288, %mul3A_289 : i32
      %get3A_291 = arith.index_cast %mul3A_290 : i32 to index
      %get3A_292 = tpu.vector_load %arg9[%get3A_291] {strides = array<i32>} : memref<1024xf32, #tpu.memory_space<vmem>>, vector<16xf32>,
      %mul3A_293 = arith.constant 2.000000e+00 : f32
      %mul3A_294 = vector.broadcast %mul3A_293 : f32 to vector<16xf32>
      %mul3A_295 = arith.mulf %mul3A_294, %get3A_292 : vector<16xf32>
      %sub3A_296 = arith.constant 1.000000e+00 : f32
      %sub3A_297 = vector.broadcast %sub3A_296 : f32 to vector<16xf32>
      %sub3A_298 = arith.subf %sub3A_297, %mul3A_295 : vector<16xf32>
      %add3A_299 = arith.addf %add3A_286, %sub3A_298 : vector<16xf32>
      %get3A_300 = arith.index_cast %mul3A_290 : i32 to index
      %get3A_301 = tpu.vector_load %arg8[%get3A_300] {strides = array<i32>} : memref<1024xf32, #tpu.memory_space<vmem>>, vector<16xf32>,
      %get3A_302 = arith.index_cast %mul3A_290 : i32 to index
      %get3A_303 = tpu.vector_load %arg10[%get3A_302] {strides = array<i32>} : memref<1024xf32, #tpu.memory_space<vmem>>, vector<16xf32>,
      %mul3A_304 = arith.constant 2.000000e+00 : f32
      %mul3A_305 = vector.broadcast %mul3A_304 : f32 to vector<16xf32>
      %mul3A_306 = arith.mulf %mul3A_305, %get3A_303 : vector<16xf32>
      %sub3A_307 = arith.constant 1.000000e+00 : f32
      %sub3A_308 = vector.broadcast %sub3A_307 : f32 to vector<16xf32>
      %sub3A_309 = arith.subf %sub3A_308, %mul3A_306 : vector<16xf32>
      %mul3A_310 = arith.mulf %get3A_301, %sub3A_309 : vector<16xf32>
      %add3A_311 = arith.addf %add3A_299, %mul3A_310 : vector<16xf32>
      scf.yield %add3A_311 : vector<16xf32>
    }
    %scan3A_212 = arith.constant 64 : i32
    %swap3A = arith.constant 0 : index
    %swap3A_213 = tpu.vector_load %arg11[%swap3A] {strides = array<i32>} : memref<16xf32, #tpu.memory_space<vmem>>, vector<16xf32>,
    tpu.vector_store %arg11[%swap3A], %scan3A_211 {strides = array<i32>} : memref<16xf32, #tpu.memory_space<vmem>>, vector<16xf32>,
    "tpu.region"() ({
      %run_scoped3A = tpu.sem_alloc : memref<!tpu.dma_semaphore, #tpu.memory_space<semaphore_mem>>
      %dma_start3A_214 = arith.constant 0 : i32
      %dma_start3A_215 = tpu.memref_slice %arg4[%add3A, %dma_start3A_214] : memref<32x16xf32, #tpu.memory_space<hbm>> -> memref<1x16xf32, #tpu.memory_space<hbm>>
      %dma_start3A_216 = tpu.memref_squeeze %dma_start3A_215 : memref<1x16xf32, #tpu.memory_space<hbm>> -> memref<16xf32, #tpu.memory_space<hbm>>
      %dma_start3A_217 = arith.constant 0 : i32
      %dma_start3A_218 = tpu.memref_slice %arg4[%add3A, %dma_start3A_217] : memref<32x16xf32, #tpu.memory_space<hbm>> -> memref<1x16xf32, #tpu.memory_space<hbm>>
      %dma_start3A_219 = tpu.memref_squeeze %dma_start3A_218 : memref<1x16xf32, #tpu.memory_space<hbm>> -> memref<16xf32, #tpu.memory_space<hbm>>
      tpu.enqueue_dma source(%arg11 : memref<16xf32, #tpu.memory_space<vmem>>) target(%dma_start3A_219 : memref<16xf32, #tpu.memory_space<hbm>>) target_semaphore(%run_scoped3A : memref<!tpu.dma_semaphore, #tpu.memory_space<semaphore_mem>>)
      %dma_wait3A_220 = arith.constant 0 : i32
      %dma_wait3A_221 = tpu.memref_slice %arg4[%add3A, %dma_wait3A_220] : memref<32x16xf32, #tpu.memory_space<hbm>> -> memref<1x16xf32, #tpu.memory_space<hbm>>
      %dma_wait3A_222 = tpu.memref_squeeze %dma_wait3A_221 : memref<1x16xf32, #tpu.memory_space<hbm>> -> memref<16xf32, #tpu.memory_space<hbm>>
      %dma_wait3A_223 = arith.constant 0 : i32
      %dma_wait3A_224 = tpu.memref_slice %arg4[%add3A, %dma_wait3A_223] : memref<32x16xf32, #tpu.memory_space<hbm>> -> memref<1x16xf32, #tpu.memory_space<hbm>>
      %dma_wait3A_225 = tpu.memref_squeeze %dma_wait3A_224 : memref<1x16xf32, #tpu.memory_space<hbm>> -> memref<16xf32, #tpu.memory_space<hbm>>
      tpu.wait_dma2 semaphore(%run_scoped3A : memref<!tpu.dma_semaphore, #tpu.memory_space<semaphore_mem>>) src(%arg11 : memref<16xf32, #tpu.memory_space<vmem>>) dst(%dma_wait3A_225 : memref<16xf32, #tpu.memory_space<hbm>>)
      tpu.yield
    }) : () -> ()
    return
  }
}

module attributes {stable_mosaic.version = 14 : i64} {
  func.func @_tc_body(%arg0: i32, %arg1: memref<512x256xf32, #tpu.memory_space<vmem>>, %arg2: memref<4096x256xf32, #tpu.memory_space<vmem>>, %arg3: memref<512x4096xf32, #tpu.memory_space<vmem>>, %arg4: memref<512x8xi32, #tpu.memory_space<vmem>>, %arg5: memref<1x1x128xf32, #tpu.memory_space<vmem>>) attributes {dimension_semantics = [#tpu.dimension_semantics<arbitrary>], iteration_bounds = array<i64: 8>, scalar_prefetch = 0 : i64, scratch_operands = 0 : i64, tpu.core_type = #tpu.core_type<tc>, window_params = [{transform_indices = @transform_0, window_bounds = array<i64: 512, 256>}, {pipeline_mode = #tpu.pipeline_mode<synchronous>, transform_indices = @transform_1, window_bounds = array<i64: 4096, 256>}, {transform_indices = @transform_2, window_bounds = array<i64: 512, 4096>}, {transform_indices = @transform_3, window_bounds = array<i64: 512, 8>}, {transform_indices = @transform_4, window_bounds = array<i64: 1, 1, 128>}]} {
    %broadcast_in_dim3A = arith.constant 1.000000e+00 : f32
    %broadcast_in_dim3A_0 = vector.broadcast %broadcast_in_dim3A : f32 to vector<4096xf32>
    %get3A = arith.constant 0 : index
    %get3A_1 = arith.constant 0 : index
    %get3A_2 = vector.load %arg3[%get3A, %get3A_1] : memref<512x4096xf32, #tpu.memory_space<vmem>>, vector<512x4096xf32>
    %dot_general3A = arith.constant dense<0.000000e+00> : vector<512xf32>
    %dot_general3A_3 = tpu.matmul %get3A_2, %broadcast_in_dim3A_0, %dot_general3A {dimension_numbers = #tpu.dot_dimension_numbers<[1], [0], [0], [], [0, 0], [], []>, transpose_lhs_hint = false} : vector<512x4096xf32>, vector<4096xf32>, vector<512xf32> -> vector<512xf32>
    %reduce_sum3A = vector.shape_cast %dot_general3A_3 : vector<512xf32> to vector<1x512xf32>
    %reduce_sum3A_4 = arith.constant dense<0.000000e+00> : vector<1xf32>
    %reduce_sum3A_5 = vector.multi_reduction <add>, %reduce_sum3A, %reduce_sum3A_4 [1] : vector<1x512xf32> to vector<1xf32>
    %reduce_sum3A_6 = vector.shape_cast %reduce_sum3A_5 : vector<1xf32> to vector<1x1xf32>
    %reduce_sum3A_7 = vector.extract %reduce_sum3A_6[0, 0] : f32 from vector<1x1xf32>
    %broadcast_in_dim3A_8 = vector.broadcast %reduce_sum3A_7 : f32 to vector<1x1x128xf32>
    %swap3A = arith.constant 0 : index
    %swap3A_9 = arith.constant 0 : index
    %swap3A_10 = arith.constant 0 : index
    %swap3A_11 = vector.load %arg5[%swap3A, %swap3A_9, %swap3A_10] : memref<1x1x128xf32, #tpu.memory_space<vmem>>, vector<1x1x128xf32>
    tpu.vector_store %arg5[%swap3A, %swap3A_9, %swap3A_10], %broadcast_in_dim3A_8 {strides = array<i32>} : memref<1x1x128xf32, #tpu.memory_space<vmem>>, vector<1x1x128xf32>,
    %get3A_12 = arith.constant 0 : index
    %get3A_13 = arith.constant 0 : index
    %get3A_14 = vector.load %arg1[%get3A_12, %get3A_13] : memref<512x256xf32, #tpu.memory_space<vmem>>, vector<512x256xf32>
    %mul3A = arith.constant -2.000000e+00 : f32
    %mul3A_15 = vector.broadcast %mul3A : f32 to vector<512x256xf32>
    %mul3A_16 = arith.mulf %get3A_14, %mul3A_15 : vector<512x256xf32>
    %get3A_17 = arith.constant 0 : index
    %get3A_18 = arith.constant 0 : index
    %get3A_19 = vector.load %arg2[%get3A_17, %get3A_18] : memref<4096x256xf32, #tpu.memory_space<vmem>>, vector<4096x256xf32>
    %mul3A_20 = arith.mulf %get3A_19, %get3A_19 : vector<4096x256xf32>
    %reduce_sum3A_21 = arith.constant dense<0.000000e+00> : vector<4096xf32>
    %reduce_sum3A_22 = vector.multi_reduction <add>, %mul3A_20, %reduce_sum3A_21 [1] : vector<4096x256xf32> to vector<4096xf32>
    %dot_general3A_23 = arith.constant dense<0.000000e+00> : vector<512x4096xf32>
    %dot_general3A_24 = tpu.matmul %mul3A_16, %get3A_19, %dot_general3A_23 {dimension_numbers = #tpu.dot_dimension_numbers<[1], [1], [0], [0], [0, 0, 1, 0], [], []>, transpose_lhs_hint = false} : vector<512x256xf32>, vector<4096x256xf32>, vector<512x4096xf32> -> vector<512x4096xf32>
    %broadcast_in_dim3A_25 = vector.shape_cast %reduce_sum3A_22 : vector<4096xf32> to vector<1x4096xf32>
    %add3A = vector.broadcast %broadcast_in_dim3A_25 : vector<1x4096xf32> to vector<512x4096xf32>
    %add3A_26 = arith.addf %dot_general3A_24, %add3A : vector<512x4096xf32>
    %iota3A = tpu.iota {dimensions = array<i32: 1>} : vector<512x4096xi32>
    %bitcast_convert_type3A = tpu.bitcast %add3A_26 : vector<512x4096xf32> -> vector<512x4096xi32>
    %shift_right_arithmetic3A = arith.constant 31 : i32
    %shift_right_arithmetic3A_27 = vector.broadcast %shift_right_arithmetic3A : i32 to vector<512x4096xi32>
    %shift_right_arithmetic3A_28 = arith.shrsi %bitcast_convert_type3A, %shift_right_arithmetic3A_27 : vector<512x4096xi32>
    %and3A = arith.constant 2147483647 : i32
    %and3A_29 = vector.broadcast %and3A : i32 to vector<512x4096xi32>
    %and3A_30 = arith.andi %shift_right_arithmetic3A_28, %and3A_29 : vector<512x4096xi32>
    %xor3A = arith.xori %bitcast_convert_type3A, %and3A_30 : vector<512x4096xi32>
    %and3A_31 = arith.constant -4096 : i32
    %and3A_32 = vector.broadcast %and3A_31 : i32 to vector<512x4096xi32>
    %and3A_33 = arith.andi %xor3A, %and3A_32 : vector<512x4096xi32>
    %or3A = arith.ori %and3A_33, %iota3A : vector<512x4096xi32>
    %slice3A = vector.extract_strided_slice %or3A {offsets = [0, 0], sizes = [512, 128], strides = [1, 1]} : vector<512x4096xi32> to vector<512x128xi32>
    %broadcast_in_dim3A_34 = arith.constant 2147483647 : i32
    %broadcast_in_dim3A_35 = vector.broadcast %broadcast_in_dim3A_34 : i32 to vector<512x128xi32>
    %slice3A_36 = vector.extract_strided_slice %or3A {offsets = [0, 128], sizes = [512, 128], strides = [1, 1]} : vector<512x4096xi32> to vector<512x128xi32>
    %max3A = arith.maxsi %slice3A, %slice3A_36 : vector<512x128xi32>
    %min3A = arith.minsi %slice3A, %slice3A_36 : vector<512x128xi32>
    %min3A_37 = arith.minsi %broadcast_in_dim3A_35, %max3A : vector<512x128xi32>
    %slice3A_38 = vector.extract_strided_slice %or3A {offsets = [0, 256], sizes = [512, 128], strides = [1, 1]} : vector<512x4096xi32> to vector<512x128xi32>
    %max3A_39 = arith.maxsi %min3A, %slice3A_38 : vector<512x128xi32>
    %min3A_40 = arith.minsi %min3A, %slice3A_38 : vector<512x128xi32>
    %min3A_41 = arith.minsi %min3A_37, %max3A_39 : vector<512x128xi32>
    %slice3A_42 = vector.extract_strided_slice %or3A {offsets = [0, 384], sizes = [512, 128], strides = [1, 1]} : vector<512x4096xi32> to vector<512x128xi32>
    %max3A_43 = arith.maxsi %min3A_40, %slice3A_42 : vector<512x128xi32>
    %min3A_44 = arith.minsi %min3A_40, %slice3A_42 : vector<512x128xi32>
    %min3A_45 = arith.minsi %min3A_41, %max3A_43 : vector<512x128xi32>
    %slice3A_46 = vector.extract_strided_slice %or3A {offsets = [0, 512], sizes = [512, 128], strides = [1, 1]} : vector<512x4096xi32> to vector<512x128xi32>
    %max3A_47 = arith.maxsi %min3A_44, %slice3A_46 : vector<512x128xi32>
    %min3A_48 = arith.minsi %min3A_44, %slice3A_46 : vector<512x128xi32>
    %min3A_49 = arith.minsi %min3A_45, %max3A_47 : vector<512x128xi32>
    %slice3A_50 = vector.extract_strided_slice %or3A {offsets = [0, 640], sizes = [512, 128], strides = [1, 1]} : vector<512x4096xi32> to vector<512x128xi32>
    %max3A_51 = arith.maxsi %min3A_48, %slice3A_50 : vector<512x128xi32>
    %min3A_52 = arith.minsi %min3A_48, %slice3A_50 : vector<512x128xi32>
    %min3A_53 = arith.minsi %min3A_49, %max3A_51 : vector<512x128xi32>
    %slice3A_54 = vector.extract_strided_slice %or3A {offsets = [0, 768], sizes = [512, 128], strides = [1, 1]} : vector<512x4096xi32> to vector<512x128xi32>
    %max3A_55 = arith.maxsi %min3A_52, %slice3A_54 : vector<512x128xi32>
    %min3A_56 = arith.minsi %min3A_52, %slice3A_54 : vector<512x128xi32>
    %min3A_57 = arith.minsi %min3A_53, %max3A_55 : vector<512x128xi32>
    %slice3A_58 = vector.extract_strided_slice %or3A {offsets = [0, 896], sizes = [512, 128], strides = [1, 1]} : vector<512x4096xi32> to vector<512x128xi32>
    %max3A_59 = arith.maxsi %min3A_56, %slice3A_58 : vector<512x128xi32>
    %min3A_60 = arith.minsi %min3A_56, %slice3A_58 : vector<512x128xi32>
    %min3A_61 = arith.minsi %min3A_57, %max3A_59 : vector<512x128xi32>
    %slice3A_62 = vector.extract_strided_slice %or3A {offsets = [0, 1024], sizes = [512, 128], strides = [1, 1]} : vector<512x4096xi32> to vector<512x128xi32>
    %max3A_63 = arith.maxsi %min3A_60, %slice3A_62 : vector<512x128xi32>
    %min3A_64 = arith.minsi %min3A_60, %slice3A_62 : vector<512x128xi32>
    %min3A_65 = arith.minsi %min3A_61, %max3A_63 : vector<512x128xi32>
    %slice3A_66 = vector.extract_strided_slice %or3A {offsets = [0, 1152], sizes = [512, 128], strides = [1, 1]} : vector<512x4096xi32> to vector<512x128xi32>
    %max3A_67 = arith.maxsi %min3A_64, %slice3A_66 : vector<512x128xi32>
    %min3A_68 = arith.minsi %min3A_64, %slice3A_66 : vector<512x128xi32>
    %min3A_69 = arith.minsi %min3A_65, %max3A_67 : vector<512x128xi32>
    %slice3A_70 = vector.extract_strided_slice %or3A {offsets = [0, 1280], sizes = [512, 128], strides = [1, 1]} : vector<512x4096xi32> to vector<512x128xi32>
    %max3A_71 = arith.maxsi %min3A_68, %slice3A_70 : vector<512x128xi32>
    %min3A_72 = arith.minsi %min3A_68, %slice3A_70 : vector<512x128xi32>
    %min3A_73 = arith.minsi %min3A_69, %max3A_71 : vector<512x128xi32>
    %slice3A_74 = vector.extract_strided_slice %or3A {offsets = [0, 1408], sizes = [512, 128], strides = [1, 1]} : vector<512x4096xi32> to vector<512x128xi32>
    %max3A_75 = arith.maxsi %min3A_72, %slice3A_74 : vector<512x128xi32>
    %min3A_76 = arith.minsi %min3A_72, %slice3A_74 : vector<512x128xi32>
    %min3A_77 = arith.minsi %min3A_73, %max3A_75 : vector<512x128xi32>
    %slice3A_78 = vector.extract_strided_slice %or3A {offsets = [0, 1536], sizes = [512, 128], strides = [1, 1]} : vector<512x4096xi32> to vector<512x128xi32>
    %max3A_79 = arith.maxsi %min3A_76, %slice3A_78 : vector<512x128xi32>
    %min3A_80 = arith.minsi %min3A_76, %slice3A_78 : vector<512x128xi32>
    %min3A_81 = arith.minsi %min3A_77, %max3A_79 : vector<512x128xi32>
    %slice3A_82 = vector.extract_strided_slice %or3A {offsets = [0, 1664], sizes = [512, 128], strides = [1, 1]} : vector<512x4096xi32> to vector<512x128xi32>
    %max3A_83 = arith.maxsi %min3A_80, %slice3A_82 : vector<512x128xi32>
    %min3A_84 = arith.minsi %min3A_80, %slice3A_82 : vector<512x128xi32>
    %min3A_85 = arith.minsi %min3A_81, %max3A_83 : vector<512x128xi32>
    %slice3A_86 = vector.extract_strided_slice %or3A {offsets = [0, 1792], sizes = [512, 128], strides = [1, 1]} : vector<512x4096xi32> to vector<512x128xi32>
    %max3A_87 = arith.maxsi %min3A_84, %slice3A_86 : vector<512x128xi32>
    %min3A_88 = arith.minsi %min3A_84, %slice3A_86 : vector<512x128xi32>
    %min3A_89 = arith.minsi %min3A_85, %max3A_87 : vector<512x128xi32>
    %slice3A_90 = vector.extract_strided_slice %or3A {offsets = [0, 1920], sizes = [512, 128], strides = [1, 1]} : vector<512x4096xi32> to vector<512x128xi32>
    %max3A_91 = arith.maxsi %min3A_88, %slice3A_90 : vector<512x128xi32>
    %min3A_92 = arith.minsi %min3A_88, %slice3A_90 : vector<512x128xi32>
    %min3A_93 = arith.minsi %min3A_89, %max3A_91 : vector<512x128xi32>
    %slice3A_94 = vector.extract_strided_slice %or3A {offsets = [0, 2048], sizes = [512, 128], strides = [1, 1]} : vector<512x4096xi32> to vector<512x128xi32>
    %max3A_95 = arith.maxsi %min3A_92, %slice3A_94 : vector<512x128xi32>
    %min3A_96 = arith.minsi %min3A_92, %slice3A_94 : vector<512x128xi32>
    %min3A_97 = arith.minsi %min3A_93, %max3A_95 : vector<512x128xi32>
    %slice3A_98 = vector.extract_strided_slice %or3A {offsets = [0, 2176], sizes = [512, 128], strides = [1, 1]} : vector<512x4096xi32> to vector<512x128xi32>
    %max3A_99 = arith.maxsi %min3A_96, %slice3A_98 : vector<512x128xi32>
    %min3A_100 = arith.minsi %min3A_96, %slice3A_98 : vector<512x128xi32>
    %min3A_101 = arith.minsi %min3A_97, %max3A_99 : vector<512x128xi32>
    %slice3A_102 = vector.extract_strided_slice %or3A {offsets = [0, 2304], sizes = [512, 128], strides = [1, 1]} : vector<512x4096xi32> to vector<512x128xi32>
    %max3A_103 = arith.maxsi %min3A_100, %slice3A_102 : vector<512x128xi32>
    %min3A_104 = arith.minsi %min3A_100, %slice3A_102 : vector<512x128xi32>
    %min3A_105 = arith.minsi %min3A_101, %max3A_103 : vector<512x128xi32>
    %slice3A_106 = vector.extract_strided_slice %or3A {offsets = [0, 2432], sizes = [512, 128], strides = [1, 1]} : vector<512x4096xi32> to vector<512x128xi32>
    %max3A_107 = arith.maxsi %min3A_104, %slice3A_106 : vector<512x128xi32>
    %min3A_108 = arith.minsi %min3A_104, %slice3A_106 : vector<512x128xi32>
    %min3A_109 = arith.minsi %min3A_105, %max3A_107 : vector<512x128xi32>
    %slice3A_110 = vector.extract_strided_slice %or3A {offsets = [0, 2560], sizes = [512, 128], strides = [1, 1]} : vector<512x4096xi32> to vector<512x128xi32>
    %max3A_111 = arith.maxsi %min3A_108, %slice3A_110 : vector<512x128xi32>
    %min3A_112 = arith.minsi %min3A_108, %slice3A_110 : vector<512x128xi32>
    %min3A_113 = arith.minsi %min3A_109, %max3A_111 : vector<512x128xi32>
    %slice3A_114 = vector.extract_strided_slice %or3A {offsets = [0, 2688], sizes = [512, 128], strides = [1, 1]} : vector<512x4096xi32> to vector<512x128xi32>
    %max3A_115 = arith.maxsi %min3A_112, %slice3A_114 : vector<512x128xi32>
    %min3A_116 = arith.minsi %min3A_112, %slice3A_114 : vector<512x128xi32>
    %min3A_117 = arith.minsi %min3A_113, %max3A_115 : vector<512x128xi32>
    %slice3A_118 = vector.extract_strided_slice %or3A {offsets = [0, 2816], sizes = [512, 128], strides = [1, 1]} : vector<512x4096xi32> to vector<512x128xi32>
    %max3A_119 = arith.maxsi %min3A_116, %slice3A_118 : vector<512x128xi32>
    %min3A_120 = arith.minsi %min3A_116, %slice3A_118 : vector<512x128xi32>
    %min3A_121 = arith.minsi %min3A_117, %max3A_119 : vector<512x128xi32>
    %slice3A_122 = vector.extract_strided_slice %or3A {offsets = [0, 2944], sizes = [512, 128], strides = [1, 1]} : vector<512x4096xi32> to vector<512x128xi32>
    %max3A_123 = arith.maxsi %min3A_120, %slice3A_122 : vector<512x128xi32>
    %min3A_124 = arith.minsi %min3A_120, %slice3A_122 : vector<512x128xi32>
    %min3A_125 = arith.minsi %min3A_121, %max3A_123 : vector<512x128xi32>
    %slice3A_126 = vector.extract_strided_slice %or3A {offsets = [0, 3072], sizes = [512, 128], strides = [1, 1]} : vector<512x4096xi32> to vector<512x128xi32>
    %max3A_127 = arith.maxsi %min3A_124, %slice3A_126 : vector<512x128xi32>
    %min3A_128 = arith.minsi %min3A_124, %slice3A_126 : vector<512x128xi32>
    %min3A_129 = arith.minsi %min3A_125, %max3A_127 : vector<512x128xi32>
    %slice3A_130 = vector.extract_strided_slice %or3A {offsets = [0, 3200], sizes = [512, 128], strides = [1, 1]} : vector<512x4096xi32> to vector<512x128xi32>
    %max3A_131 = arith.maxsi %min3A_128, %slice3A_130 : vector<512x128xi32>
    %min3A_132 = arith.minsi %min3A_128, %slice3A_130 : vector<512x128xi32>
    %min3A_133 = arith.minsi %min3A_129, %max3A_131 : vector<512x128xi32>
    %slice3A_134 = vector.extract_strided_slice %or3A {offsets = [0, 3328], sizes = [512, 128], strides = [1, 1]} : vector<512x4096xi32> to vector<512x128xi32>
    %max3A_135 = arith.maxsi %min3A_132, %slice3A_134 : vector<512x128xi32>
    %min3A_136 = arith.minsi %min3A_132, %slice3A_134 : vector<512x128xi32>
    %min3A_137 = arith.minsi %min3A_133, %max3A_135 : vector<512x128xi32>
    %slice3A_138 = vector.extract_strided_slice %or3A {offsets = [0, 3456], sizes = [512, 128], strides = [1, 1]} : vector<512x4096xi32> to vector<512x128xi32>
    %max3A_139 = arith.maxsi %min3A_136, %slice3A_138 : vector<512x128xi32>
    %min3A_140 = arith.minsi %min3A_136, %slice3A_138 : vector<512x128xi32>
    %min3A_141 = arith.minsi %min3A_137, %max3A_139 : vector<512x128xi32>
    %slice3A_142 = vector.extract_strided_slice %or3A {offsets = [0, 3584], sizes = [512, 128], strides = [1, 1]} : vector<512x4096xi32> to vector<512x128xi32>
    %max3A_143 = arith.maxsi %min3A_140, %slice3A_142 : vector<512x128xi32>
    %min3A_144 = arith.minsi %min3A_140, %slice3A_142 : vector<512x128xi32>
    %min3A_145 = arith.minsi %min3A_141, %max3A_143 : vector<512x128xi32>
    %slice3A_146 = vector.extract_strided_slice %or3A {offsets = [0, 3712], sizes = [512, 128], strides = [1, 1]} : vector<512x4096xi32> to vector<512x128xi32>
    %max3A_147 = arith.maxsi %min3A_144, %slice3A_146 : vector<512x128xi32>
    %min3A_148 = arith.minsi %min3A_144, %slice3A_146 : vector<512x128xi32>
    %min3A_149 = arith.minsi %min3A_145, %max3A_147 : vector<512x128xi32>
    %slice3A_150 = vector.extract_strided_slice %or3A {offsets = [0, 3840], sizes = [512, 128], strides = [1, 1]} : vector<512x4096xi32> to vector<512x128xi32>
    %max3A_151 = arith.maxsi %min3A_148, %slice3A_150 : vector<512x128xi32>
    %min3A_152 = arith.minsi %min3A_148, %slice3A_150 : vector<512x128xi32>
    %min3A_153 = arith.minsi %min3A_149, %max3A_151 : vector<512x128xi32>
    %slice3A_154 = vector.extract_strided_slice %or3A {offsets = [0, 3968], sizes = [512, 128], strides = [1, 1]} : vector<512x4096xi32> to vector<512x128xi32>
    %max3A_155 = arith.maxsi %min3A_152, %slice3A_154 : vector<512x128xi32>
    %min3A_156 = arith.minsi %min3A_152, %slice3A_154 : vector<512x128xi32>
    %min3A_157 = arith.minsi %min3A_153, %max3A_155 : vector<512x128xi32>
    %concatenate3A = tpu.concatenate %min3A_156, %min3A_157 in 1 : vector<512x128xi32>, vector<512x128xi32> -> vector<512x256xi32>
    %reduce_min3A = arith.constant dense<2147483647> : vector<512xi32>
    %reduce_min3A_158 = vector.multi_reduction <minsi>, %concatenate3A, %reduce_min3A [1] : vector<512x256xi32> to vector<512xi32>
    %broadcast_in_dim3A_159 = vector.shape_cast %reduce_min3A_158 : vector<512xi32> to vector<512x1xi32>
    %eq3A = vector.broadcast %broadcast_in_dim3A_159 : vector<512x1xi32> to vector<512x256xi32>
    %eq3A_160 = arith.cmpi eq, %concatenate3A, %eq3A : vector<512x256xi32>
    %jit3A = arith.constant 2147483647 : i32
    %broadcast_in_dim3A_161 = vector.broadcast %jit3A : i32 to vector<512x256xi32>
    %select_n3A = arith.select %eq3A_160, %broadcast_in_dim3A_161, %concatenate3A : vector<512x256xi1>, vector<512x256xi32>
    %reduce_min3A_162 = arith.constant dense<2147483647> : vector<512xi32>
    %reduce_min3A_163 = vector.multi_reduction <minsi>, %select_n3A, %reduce_min3A_162 [1] : vector<512x256xi32> to vector<512xi32>
    %broadcast_in_dim3A_164 = vector.shape_cast %reduce_min3A_163 : vector<512xi32> to vector<512x1xi32>
    %and3A_165 = arith.constant 4095 : i32
    %and3A_166 = vector.broadcast %and3A_165 : i32 to vector<512x1xi32>
    %and3A_167 = arith.andi %broadcast_in_dim3A_164, %and3A_166 : vector<512x1xi32>
    %eq3A_168 = vector.broadcast %broadcast_in_dim3A_164 : vector<512x1xi32> to vector<512x256xi32>
    %eq3A_169 = arith.cmpi eq, %select_n3A, %eq3A_168 : vector<512x256xi32>
    %jit3A_170 = arith.constant 2147483647 : i32
    %broadcast_in_dim3A_171 = vector.broadcast %jit3A_170 : i32 to vector<512x256xi32>
    %select_n3A_172 = arith.select %eq3A_169, %broadcast_in_dim3A_171, %select_n3A : vector<512x256xi1>, vector<512x256xi32>
    %reduce_min3A_173 = arith.constant dense<2147483647> : vector<512xi32>
    %reduce_min3A_174 = vector.multi_reduction <minsi>, %select_n3A_172, %reduce_min3A_173 [1] : vector<512x256xi32> to vector<512xi32>
    %broadcast_in_dim3A_175 = vector.shape_cast %reduce_min3A_174 : vector<512xi32> to vector<512x1xi32>
    %and3A_176 = arith.constant 4095 : i32
    %and3A_177 = vector.broadcast %and3A_176 : i32 to vector<512x1xi32>
    %and3A_178 = arith.andi %broadcast_in_dim3A_175, %and3A_177 : vector<512x1xi32>
    %eq3A_179 = vector.broadcast %broadcast_in_dim3A_175 : vector<512x1xi32> to vector<512x256xi32>
    %eq3A_180 = arith.cmpi eq, %select_n3A_172, %eq3A_179 : vector<512x256xi32>
    %jit3A_181 = arith.constant 2147483647 : i32
    %broadcast_in_dim3A_182 = vector.broadcast %jit3A_181 : i32 to vector<512x256xi32>
    %select_n3A_183 = arith.select %eq3A_180, %broadcast_in_dim3A_182, %select_n3A_172 : vector<512x256xi1>, vector<512x256xi32>
    %reduce_min3A_184 = arith.constant dense<2147483647> : vector<512xi32>
    %reduce_min3A_185 = vector.multi_reduction <minsi>, %select_n3A_183, %reduce_min3A_184 [1] : vector<512x256xi32> to vector<512xi32>
    %broadcast_in_dim3A_186 = vector.shape_cast %reduce_min3A_185 : vector<512xi32> to vector<512x1xi32>
    %and3A_187 = arith.constant 4095 : i32
    %and3A_188 = vector.broadcast %and3A_187 : i32 to vector<512x1xi32>
    %and3A_189 = arith.andi %broadcast_in_dim3A_186, %and3A_188 : vector<512x1xi32>
    %eq3A_190 = vector.broadcast %broadcast_in_dim3A_186 : vector<512x1xi32> to vector<512x256xi32>
    %eq3A_191 = arith.cmpi eq, %select_n3A_183, %eq3A_190 : vector<512x256xi32>
    %jit3A_192 = arith.constant 2147483647 : i32
    %broadcast_in_dim3A_193 = vector.broadcast %jit3A_192 : i32 to vector<512x256xi32>
    %select_n3A_194 = arith.select %eq3A_191, %broadcast_in_dim3A_193, %select_n3A_183 : vector<512x256xi1>, vector<512x256xi32>
    %reduce_min3A_195 = arith.constant dense<2147483647> : vector<512xi32>
    %reduce_min3A_196 = vector.multi_reduction <minsi>, %select_n3A_194, %reduce_min3A_195 [1] : vector<512x256xi32> to vector<512xi32>
    %broadcast_in_dim3A_197 = vector.shape_cast %reduce_min3A_196 : vector<512xi32> to vector<512x1xi32>
    %and3A_198 = arith.constant 4095 : i32
    %and3A_199 = vector.broadcast %and3A_198 : i32 to vector<512x1xi32>
    %and3A_200 = arith.andi %broadcast_in_dim3A_197, %and3A_199 : vector<512x1xi32>
    %eq3A_201 = vector.broadcast %broadcast_in_dim3A_197 : vector<512x1xi32> to vector<512x256xi32>
    %eq3A_202 = arith.cmpi eq, %select_n3A_194, %eq3A_201 : vector<512x256xi32>
    %jit3A_203 = arith.constant 2147483647 : i32
    %broadcast_in_dim3A_204 = vector.broadcast %jit3A_203 : i32 to vector<512x256xi32>
    %select_n3A_205 = arith.select %eq3A_202, %broadcast_in_dim3A_204, %select_n3A_194 : vector<512x256xi1>, vector<512x256xi32>
    %reduce_min3A_206 = arith.constant dense<2147483647> : vector<512xi32>
    %reduce_min3A_207 = vector.multi_reduction <minsi>, %select_n3A_205, %reduce_min3A_206 [1] : vector<512x256xi32> to vector<512xi32>
    %broadcast_in_dim3A_208 = vector.shape_cast %reduce_min3A_207 : vector<512xi32> to vector<512x1xi32>
    %and3A_209 = arith.constant 4095 : i32
    %and3A_210 = vector.broadcast %and3A_209 : i32 to vector<512x1xi32>
    %and3A_211 = arith.andi %broadcast_in_dim3A_208, %and3A_210 : vector<512x1xi32>
    %eq3A_212 = vector.broadcast %broadcast_in_dim3A_208 : vector<512x1xi32> to vector<512x256xi32>
    %eq3A_213 = arith.cmpi eq, %select_n3A_205, %eq3A_212 : vector<512x256xi32>
    %jit3A_214 = arith.constant 2147483647 : i32
    %broadcast_in_dim3A_215 = vector.broadcast %jit3A_214 : i32 to vector<512x256xi32>
    %select_n3A_216 = arith.select %eq3A_213, %broadcast_in_dim3A_215, %select_n3A_205 : vector<512x256xi1>, vector<512x256xi32>
    %reduce_min3A_217 = arith.constant dense<2147483647> : vector<512xi32>
    %reduce_min3A_218 = vector.multi_reduction <minsi>, %select_n3A_216, %reduce_min3A_217 [1] : vector<512x256xi32> to vector<512xi32>
    %broadcast_in_dim3A_219 = vector.shape_cast %reduce_min3A_218 : vector<512xi32> to vector<512x1xi32>
    %and3A_220 = arith.constant 4095 : i32
    %and3A_221 = vector.broadcast %and3A_220 : i32 to vector<512x1xi32>
    %and3A_222 = arith.andi %broadcast_in_dim3A_219, %and3A_221 : vector<512x1xi32>
    %eq3A_223 = vector.broadcast %broadcast_in_dim3A_219 : vector<512x1xi32> to vector<512x256xi32>
    %eq3A_224 = arith.cmpi eq, %select_n3A_216, %eq3A_223 : vector<512x256xi32>
    %jit3A_225 = arith.constant 2147483647 : i32
    %broadcast_in_dim3A_226 = vector.broadcast %jit3A_225 : i32 to vector<512x256xi32>
    %select_n3A_227 = arith.select %eq3A_224, %broadcast_in_dim3A_226, %select_n3A_216 : vector<512x256xi1>, vector<512x256xi32>
    %reduce_min3A_228 = arith.constant dense<2147483647> : vector<512xi32>
    %reduce_min3A_229 = vector.multi_reduction <minsi>, %select_n3A_227, %reduce_min3A_228 [1] : vector<512x256xi32> to vector<512xi32>
    %broadcast_in_dim3A_230 = vector.shape_cast %reduce_min3A_229 : vector<512xi32> to vector<512x1xi32>
    %and3A_231 = arith.constant 4095 : i32
    %and3A_232 = vector.broadcast %and3A_231 : i32 to vector<512x1xi32>
    %and3A_233 = arith.andi %broadcast_in_dim3A_230, %and3A_232 : vector<512x1xi32>
    %eq3A_234 = vector.broadcast %broadcast_in_dim3A_230 : vector<512x1xi32> to vector<512x256xi32>
    %eq3A_235 = arith.cmpi eq, %select_n3A_227, %eq3A_234 : vector<512x256xi32>
    %jit3A_236 = arith.constant 2147483647 : i32
    %broadcast_in_dim3A_237 = vector.broadcast %jit3A_236 : i32 to vector<512x256xi32>
    %select_n3A_238 = arith.select %eq3A_235, %broadcast_in_dim3A_237, %select_n3A_227 : vector<512x256xi1>, vector<512x256xi32>
    %reduce_min3A_239 = arith.constant dense<2147483647> : vector<512xi32>
    %reduce_min3A_240 = vector.multi_reduction <minsi>, %select_n3A_238, %reduce_min3A_239 [1] : vector<512x256xi32> to vector<512xi32>
    %broadcast_in_dim3A_241 = vector.shape_cast %reduce_min3A_240 : vector<512xi32> to vector<512x1xi32>
    %and3A_242 = arith.constant 4095 : i32
    %and3A_243 = vector.broadcast %and3A_242 : i32 to vector<512x1xi32>
    %and3A_244 = arith.andi %broadcast_in_dim3A_241, %and3A_243 : vector<512x1xi32>
    %concatenate3A_245 = tpu.concatenate %and3A_167, %and3A_178, %and3A_189, %and3A_200, %and3A_211, %and3A_222, %and3A_233, %and3A_244 in 1 : vector<512x1xi32>, vector<512x1xi32>, vector<512x1xi32>, vector<512x1xi32>, vector<512x1xi32>, vector<512x1xi32>, vector<512x1xi32>, vector<512x1xi32> -> vector<512x8xi32>
    %swap3A_246 = arith.constant 0 : index
    %swap3A_247 = arith.constant 0 : index
    %swap3A_248 = vector.load %arg4[%swap3A_246, %swap3A_247] : memref<512x8xi32, #tpu.memory_space<vmem>>, vector<512x8xi32>
    tpu.vector_store %arg4[%swap3A_246, %swap3A_247], %concatenate3A_245 {strides = array<i32>} : memref<512x8xi32, #tpu.memory_space<vmem>>, vector<512x8xi32>,
    return
  }
  func.func @transform_0(%arg0: i32) -> (i32, i32) {
    %c0_i32 = arith.constant 0 : i32
    %c0_i32_0 = arith.constant 0 : i32
    return %arg0, %c0_i32 : i32, i32
  }
  func.func @transform_1(%arg0: i32) -> (i32, i32) {
    %c0_i32 = arith.constant 0 : i32
    %c0_i32_0 = arith.constant 0 : i32
    %c0_i32_1 = arith.constant 0 : i32
    return %c0_i32, %c0_i32_0 : i32, i32
  }
  func.func @transform_2(%arg0: i32) -> (i32, i32) {
    %c0_i32 = arith.constant 0 : i32
    %c0_i32_0 = arith.constant 0 : i32
    return %arg0, %c0_i32 : i32, i32
  }
  func.func @transform_3(%arg0: i32) -> (i32, i32) {
    %c0_i32 = arith.constant 0 : i32
    %c0_i32_0 = arith.constant 0 : i32
    return %arg0, %c0_i32 : i32, i32
  }
  func.func @transform_4(%arg0: i32) -> (i32, i32, i32) {
    %c0_i32 = arith.constant 0 : i32
    %c0_i32_0 = arith.constant 0 : i32
    %c0_i32_1 = arith.constant 0 : i32
    return %arg0, %c0_i32, %c0_i32_0 : i32, i32, i32
  }
}

</mosaic_0001>

<sc_bundles>
// kernel: kernel.4.cloned.1.call-start
scs
__scs_entry_jumppad:
0x0: {  	(pc) =	sbr.rel $0x88, $3  }
0x1: {  	(tag) =	ssettag $0x0;
	lr =	simm.s32 $0x1  }
0x2: {  	[smem:$0x3F9F] =	sst lr;
	_ =	strace $0xD0000000  }
0x3: {  	_ = 	snop  }
0x4: {  	_ = 	snop  }
0x5: {  	_ = 	snop  }
0x6: {  	_ = 	snop  }
0x7: {  	_ = 	snop  }
__scs_overlays_trampoline_lowered:
0x8: {  	[smem:$0x3FAE] =	sst s0  }
0x9: {  	[smem:$0x3FAF] =	sst s1  }
0xa: {  	[smem:$0x3FB0] =	sst s2  }
0xb: {  	[smem:$0x3FB1] =	sst s3  }
0xc: {  	[smem:$0x3FB2] =	sst s4  }
0xd: {  	[smem:$0x3FB3] =	sst s5  }
0xe: {  	[smem:$0x3FB4] =	sst s6  }
0xf: {  	[smem:$0x3FB5] =	sst s7  }
0x10: {  	[smem:$0x3FB6] =	sst s8  }
0x11: {  	[smem:$0x3FB7] =	sst s9;
	s0 =	simm.s32 @!p0 $0x0  }
0x12: {  	s1 =	sld [smem:$0x3F9D];
	s0 =	simm.s32 @p0 $0x1  }
0x13: {  	[smem:$0x3FB8] =	sst s0;
	s0 =	simm.s32 @!p1 $0x0  }
0x14: {  	s2 =	sld [smem:$0x3F9C];
	s0 =	simm.s32 @p1 $0x1  }
0x15: {  	[smem:$0x3FB9] =	sst s0;
	s0 =	simm.s32 @!p2 $0x0  }
0x16: {  	s3 =	sld [smem:$0x3FDB];
	s0 =	simm.s32 @p2 $0x1  }
0x17: {  	s4 =	simm.s32 $0x1BF5;
	[smem:$0x3FBB] =	sst s0  }
0x18: {  	s0 =	sld [smem:$0x3F9E];
	_ =	swait.ge [sflag:s4], $0x0  }
0x19: {  	s7 =	sld [smem:$0x3F9F]  }
0x1a: {  	s8 =	sadd.s32 $0xFFFFE003, lr  }
0x1b: {  	s9 =	sadd.s32 $0xFFFFFEF7, lr;
	s5 =	simm.s32 $0xFFFFFFFF;
	p2 =	slt.u32 s8, $0xFFFFF086  }
0x1c: {  	p1 =	slt.u32 s9, $0xF7A;
	s5 =	simm.s32 @!p2 $0x0  }
0x1d: {  	s5 =	simm.s32 @p1 $0x1;
	p0 =	seq.s32 s7, s2  }
0x1e: {  	s7 =	smul.u32 @!p0 $0xF7A, s2;
	p2 =	seq.s32 @!p0 s5, $0x0  }
0x1f: {  	s9 =	smul.u32 $0xF7A, s1;
	s8 =	simm.s32 @!p0 $0x1BF5;
	p2 =	por !p2, p0  }
0x20: {  	[sflag:s8] =	ssyncset.s32 @!p0 $0xFFFFF086;
	s6 =	sadd.s32 @!p0 s3, s7;
	s7 =	simm.s32 @!p0 $0x108  }
0x21: {  	s3 =	sadd.s32 s3, s9;
	s6 =	sadd.s32 @!p0 $0x88, s6;
	s7 =	simm.s32 @p2 $0x1082  }
0x22: {  	[simem:s7], [sflag:s8] =	dma.local @!p0 [hbm:s6], $0xF7A  }
0x23: {  	s9 =	sor.u32 $0xD0000000, s2;
	s6 =	simm.s32 $0x108;
	_ =	swait.ge @!p0 [sflag:s8], $0x0  }
0x24: {  	s3 =	sadd.s32 $0x88, s3;
	s6 =	simm.s32 @!p1 $0x1082;
	[sflag:s4] =	ssyncset.s32 $0xFFFFF086  }
0x25: {  	[simem:s6], [sflag:s4] =	dma.local [hbm:s3], $0xF7A  }
0x26: {  	[smem:$0x3F9F] =	sst s1;
	(tag) =	ssettag s2;
	_ =	strace s9  }
0x27: {  	s1 =	sld [smem:$0x3FAF]  }
0x28: {  	s2 =	sld [smem:$0x3FB0]  }
0x29: {  	s4 =	sld [smem:$0x3FB2]  }
0x2a: {  	p0 =	seq.s32 s5, $0x0;
	s5 =	sld [smem:$0x3FB3]  }
0x2b: {  	s6 =	sld [smem:$0x3FB4]  }
0x2c: {  	s7 =	sld [smem:$0x3FB5]  }
0x2d: {  	s3 =	simm.s32 $0x108;
	s8 =	sld [smem:$0x3FB6]  }
0x2e: {  	s3 =	simm.s32 @!p0 $0x1082;
	s9 =	sld [smem:$0x3FB7]  }
0x2f: {  	lr =	sadd.s32 s0, s3;
	s0 =	sld [smem:$0x3FAE]  }
0x30: {  	s3 =	sld [smem:$0x3FB1]  }
0x31: {  	[smem:$0x3FBA] =	sst s10  }
0x32: {  	s10 =	sld [smem:$0x3FB8];
	_ =	sdelay $0x3  }
0x33: {  	p0 =	seq.s32 s10, $0x1;
	s10 =	sld [smem:$0x3FBA];
	_ =	sdelay $0x3  }
0x34: {  	[smem:$0x3FBA] =	sst s10  }
0x35: {  	s10 =	sld [smem:$0x3FB9];
	_ =	sdelay $0x3  }
0x36: {  	p1 =	seq.s32 s10, $0x1;
	s10 =	sld [smem:$0x3FBA];
	_ =	sdelay $0x3  }
0x37: {  	[smem:$0x3FBA] =	sst s10  }
0x38: {  	s10 =	sld [smem:$0x3FBB]  }
0x39: {  	_ = 	snop;
	(pc) =	sbr.ind lr, $3  }
0x3a: {  	_ = 	snop  }
0x3b: {  	_ = 	snop  }
0x3c: {  	p2 =	seq.s32 s10, $0x1;
	s10 =	sld [smem:$0x3FBA]  }
0x3d: {  	_ =	shalt  }
0x3e: {  	_ =	shalt  }
0x3f: {  	_ =	shalt  }
0x40: {  	_ =	shalt  }
0x41: {  	_ =	shalt  }
0x42: {  	_ =	shalt  }
0x43: {  	_ =	shalt  }
0x44: {  	_ =	shalt  }
0x45: {  	_ =	shalt  }
0x46: {  	_ =	shalt  }
0x47: {  	_ =	shalt  }
0x48: {  	_ =	shalt  }
0x49: {  	_ =	shalt  }
0x4a: {  	_ =	shalt  }
0x4b: {  	_ =	shalt  }
0x4c: {  	_ =	shalt  }
0x4d: {  	_ =	shalt  }
0x4e: {  	_ =	shalt  }
0x4f: {  	_ =	shalt  }
0x50: {  	_ =	shalt  }
0x51: {  	_ =	shalt  }
0x52: {  	_ =	shalt  }
0x53: {  	_ =	shalt  }
0x54: {  	_ =	shalt  }
0x55: {  	_ =	shalt  }
0x56: {  	_ =	shalt  }
0x57: {  	_ =	shalt  }
0x58: {  	_ =	shalt  }
0x59: {  	_ =	shalt  }
0x5a: {  	_ =	shalt  }
0x5b: {  	_ =	shalt  }
0x5c: {  	_ =	shalt  }
0x5d: {  	_ =	shalt  }
0x5e: {  	_ =	shalt  }
0x5f: {  	_ =	shalt  }
0x60: {  	_ =	shalt  }
0x61: {  	_ =	shalt  }
0x62: {  	_ =	shalt  }
0x63: {  	_ =	shalt  }
0x64: {  	_ =	shalt  }
0x65: {  	_ =	shalt  }
0x66: {  	_ =	shalt  }
0x67: {  	_ =	shalt  }
0x68: {  	_ =	shalt  }
0x69: {  	_ =	shalt  }
0x6a: {  	_ =	shalt  }
0x6b: {  	_ =	shalt  }
0x6c: {  	_ =	shalt  }
0x6d: {  	_ =	shalt  }
0x6e: {  	_ =	shalt  }
0x6f: {  	_ =	shalt  }
0x70: {  	_ =	shalt  }
0x71: {  	_ =	shalt  }
0x72: {  	_ =	shalt  }
0x73: {  	_ =	shalt  }
0x74: {  	_ =	shalt  }
0x75: {  	_ =	shalt  }
0x76: {  	_ =	shalt  }
0x77: {  	_ =	shalt  }
0x78: {  	_ =	shalt  }
0x79: {  	_ =	shalt  }
0x7a: {  	_ =	shalt  }
0x7b: {  	_ =	shalt  }
0x7c: {  	_ =	shalt  }
0x7d: {  	_ =	shalt  }
0x7e: {  	_ =	shalt  }
0x7f: {  	_ =	shalt  }
0x80: {  	_ =	shalt  }
0x81: {  	_ =	shalt  }
0x82: {  	_ =	shalt  }
0x83: {  	_ =	shalt  }
0x84: {  	_ =	shalt  }
0x85: {  	_ =	shalt  }
0x86: {  	_ =	shalt  }
0x87: {  	_ =	shalt  }
.Lfunc_end0:
.L_simem_size_0:
called_computation.1_lowered:
.L_overlay_start_0:
0x88: {  	s2 =	sld [smem:$0x3FD9]  }
0x89: {  	s3 =	sld [smem:$0x3FFE];
	_ =	sdelay $0x1  }
0x8a: {  	s1 =	srdreg.scid  }
0x8b: {  	s0 =	sand.u32 $0x1, s1  }
0x8c: {  	s16 =	sshll.u32 s0, $0xA;
	s2 =	sadd.s32 s3, s2  }
0x8d: {  	s2 =	sadd.s32 s2, s16  }
0x8e: {  	[smem:$0x3FC6] =	sst s2  }
0x8f: {  	_ = 	snop  }
0x90: {  	(tm) =	ssettm $0x1  }
0x91: {  	s17 =	sld [smem:$0x3FFB];
	_ =	sdelay $0x3  }
0x92: {  	_ =	strace s17  }
0x93: {  	s2 =	sld [smem:$0x3FFC];
	_ =	sdelay $0x3  }
0x94: {  	_ =	strace s2  }
0x95: {  	s2 =	sld [smem:$0x3FFD];
	_ =	sdelay $0x3  }
0x96: {  	_ =	strace s2  }
0x97: {  	_ =	strace $0x8FFFFFFF  }
0x98: {  	s18 =	sld [smem:$0x3FDB];
	_ =	sdelay $0x1  }
0x99: {  	s19 =	simm.s32 $_scs_section_size  }
0x9a: {  	s4 =	simm.s32 $_size__tile_overlayer_lowered;
	s5 =	simm.s32 $_tile_overlayer_lowered  }
0x9b: {  	s22 =	simm.s32 $0x1BFF;
	s21 =	sshll.u32 s5, $0x1;
	s2 =	sadd.s32 s19, s18  }
0x9c: {  	s6 =	simm.s32 $0x0;
	s20 =	sshll.u32 s4, $0x1;
	s4 =	sadd.s32 s21, s2  }
0x9d: {  	[timem:s6], [sflag:s22] =	dma.local [hbm:s4], s20  }
0x9e: {  	_ =	swait.ge [sflag:s22], s20  }
0x9f: {  	s3 =	ssub.s32 $0x0, s20;
	[sflag:s22] =	ssyncset.done $0x0  }
0xa0: {  	[sflag:s22] =	ssyncadd.s32 s3;
	_ =	sdelay $0x1  }
0xa1: {  	s23 =	simm.s32 $0x1B8B  }
0xa2: {  	_ =	swait.ge [sflag:s23], $0x1  }
0xa3: {  	[sflag:s23] =	ssyncset.done $0x0  }
0xa4: {  	s25 =	simm.s32 $0x1B8E;
	s24 =	sld [smem:$0x3FFE];
	[sflag:s23] =	ssyncadd.s32 $0xFFFFFFFF  }
0xa5: {  	s26 =	simm.s32 $execute0_lowered;
	[smem:$0x3FD2] =	sst s25  }
0xa6: {  	s4 =	sshll.u32 s26, $0x1;
	_ =	strace $0x80000049;
	[dreg:$0x1] =	wrdreg $0xFFFFFFFF  }
0xa7: {  	s28 =	simm.s32 $_size_execute0_lowered;
	s2 =	sadd.s32 s2, s4;
	[dreg:$0x0] =	wrdreg $0x0  }
0xa8: {  	s4 =	sshll.u32 s28, $0x1;
	[dreg:$0x2] =	wrdreg s2  }
0xa9: {  	[dreg:$0x3] =	wrdreg s4  }
0xaa: {  	[dreg:$0x4] =	wrdreg $0xC0  }
0xab: {  	_ =	task [dreg:s6], $0x5FFFF  }
0xac: {  	[dreg:$0x1] =	wrdreg $0xFFFFFFFF  }
0xad: {  	[dreg:$0x0] =	wrdreg $0x60  }
0xae: {  	[dreg:$0x2] =	wrdreg s24  }
0xaf: {  	[dreg:$0x3] =	wrdreg $0x9  }
0xb0: {  	_ =	task.clear_ibuf [dreg:s6], $0x4FFFF;
	_ =	strace $0x90000049  }
0xb1: {  	s29 =	simm.s32 $0x9;
	_ =	strace $0x8000004B  }
0xb2: {  	_ =	swait.ge [sflag:s29], $0x1  }
0xb3: {  	[sflag:s29] =	ssyncadd.s32 $0xFFFFFFFF  }
0xb4: {  	_ =	strace $0x9000004B  }
0xb5: {  	_ =	sfence  }
0xb6: {  	s30 =	sld [smem:$0x0];
	_ =	sdelay $0x2  }
0xb7: {  	s31 =	sshll.u32 s1, $0xD;
	s1 =	sshrl.u32 s1, $0x2  }
0xb8: {  	s3 =	sand.u32 $0x4000, s31;
	s1 =	sadd.s32 s1, s30  }
0xb9: {  	s0 =	sor.u32 s3, s0;
	s1 =	sshll.u32 s1, $0x11  }
0xba: {  	s0 =	sor.u32 s1, s0  }
0xbb: {  	s0 =	sadd.s32 $0x8F2B, s0  }
0xbc: {  	[sflag:s0] =	ssyncadd.remote.s32 $0x1  }
0xbd: {  	_ =	sfence.sel $0xFFFF  }
0xbe: {  	[dreg:$0x0] =	wrdreg $0xFFFFFFFF;
	(pc) =	sbr.abs _section_cstart, $3  }
0xbf: {  	[dreg:$0x1] =	wrdreg $0xFFFFFFFF  }
0xc0: {  	_ =	task.clear_ibuf [dreg:s6], $0x2FFFF;
	_ =	strace $0x9FFFFFFF  }
0xc1: {  	(tm) =	ssettm $0x7FFFFFFF  }
tec
execute0_lowered:
.L_overlay_start_1:
0x0: {  	(tag) =	ssettag $0x1  }
0x1: {  	s0 =	rddreg [dreg:$0x0]  }
0x2: {  	s2 =	simm.s32 $0x0;
	s1 =	srdreg.scid;
	s3 =	stileid.u32  }
0x3: {  	s8 =	simm.s32 $0x2;
	s9 =	simm.s32 $0x80;
	s31 =	simm.s32 $0x8280  }
0x4: {  	s10 =	simm.s32 $0x9280;
	s11 =	simm.s32 $0x8300;
	s12 =	simm.s32 $0x8F00  }
0x5: {  	s13 =	simm.s32 $0x8700;
	s14 =	simm.s32 $0x9300;
	s15 =	simm.s32 $0x8380  }
0x6: {  	s16 =	simm.s32 $0x8F80;
	s17 =	simm.s32 $0x8780;
	s18 =	simm.s32 $0x9380  }
0x7: {  	s20 =	simm.s32 $0x9400;
	s21 =	simm.s32 $0x0;
	[smem:$0x7FF] =	sst s2  }
0x8: {  	s1 =	sand.u32 $0x1, s1;
	s3 =	sshll.u32 s3, $0x1;
	s4 =	sadd.s32 $0x200, s0  }
0x9: {  	_ =	strace $0x8000004A;
	s5 =	sor.u32 s1, s3;
	s1 =	ssub.s32 $0x2, s1  }
0xa: {  	s3 =	sadd.s32 $0x200200, s0;
	s6 =	sshll.u32 s5, $0x4;
	s30 =	sshrl.u32 s1, $0x1  }
0xb: {  	s19 =	sshll.u32 s5, $0x7;
	s5 =	sshll.u32 s5, $0xA;
	s0 =	sadd.s32 s6, s0  }
0xc: {  	s1 =	ssub.s32 s1, s30;
	v0 =	vmov s19;
	s19 =	simm.s32 $0x1;
	s6 =	sadd.s32 $0x201200, s0  }
0xd: {  	v1 =	vlaneseq.u32;
	v2 =	vimm.f32 $1.000000000e+00;
	s7 =	smax.u32 s1, $0x1;
	s0 =	simm.s32 $0x8E80;
	s1 =	simm.s32 $0x8680  }
.LBB2_1:
0xe: {  	[tilespmem:s2], [sflag:$0x2] =	stream.linear.gather [hbm4b:s3+s2], $0x8000, $0x38;
	[tilespmem:$0x9480] =	vst v63  }
0xf: {  	s22 =	sand.u32 $0x380, s2;
	_ =	swait.ge [sflag:s8], $0x8000  }
0x10: {  	s23 =	sand.u32 $0x40, s2;
	s24 =	sadd.s32 s22, s5;
	[sflag:s8] =	ssyncset.done $0x0  }
0x11: {  	s22 =	sadd.s32 s23, s24;
	[sflag:s8] =	ssyncadd.s32 $0xFFFF8000  }
0x12: {  	v3 =	vld [tilespmem:s22+$0x0]  }
0x13: {  	v4 =	vor.u32 s2, v1  }
0x14: {  	v4 =	vshrl.u32 v4, $0x3  }
0x15: {  	v4 =	vor.u32 v0, v4  }
0x16: {  	v5 =	vshll.u32 v4, $0xC  }
0x17: {  	s30 =	simm.s32 $0x10;
	s22 =	simm.s32 $0x8020;
	v5 =	vadd.s32 v5, v3;
	v3 =	vshll.u32 v3, $0xC  }
0x18: {  	s25 =	simm.s32 $0x8420;
	s26 =	sand.u32 $0x50, s30;
	[tilespmem:s22+$0xFFFFFFE0] =	vst v5;
	v3 =	vadd.s32 v4, v3  }
0x19: {  	s26 =	sadd.s32 s26, s24;
	[tilespmem:s25+$0xFFFFFFE0] =	vst v3  }
0x1a: {  	v3 =	vld [tilespmem:s26+$0x0]  }
0x1b: {  	v4 =	vor.u32 s30, v1  }
0x1c: {  	v4 =	vshrl.u32 v4, $0x3  }
0x1d: {  	v4 =	vor.u32 v0, v4  }
0x1e: {  	v5 =	vshll.u32 v4, $0xC  }
0x1f: {  	s23 =	simm.s32 $0x20;
	v5 =	vadd.s32 v5, v3;
	v3 =	vshll.u32 v3, $0xC  }
0x20: {  	s30 =	sand.u32 $0x60, s23;
	[tilespmem:s22+$0xFFFFFFF0] =	vst v5;
	v3 =	vadd.s32 v4, v3  }
0x21: {  	s26 =	sadd.s32 s30, s24;
	[tilespmem:s25+$0xFFFFFFF0] =	vst v3  }
0x22: {  	v3 =	vld [tilespmem:s26+$0x0]  }
0x23: {  	v4 =	vor.u32 s23, v1  }
0x24: {  	v4 =	vshrl.u32 v4, $0x3  }
0x25: {  	v4 =	vor.u32 v0, v4  }
0x26: {  	v5 =	vshll.u32 v4, $0xC  }
0x27: {  	s23 =	simm.s32 $0x30;
	v5 =	vadd.s32 v5, v3;
	v3 =	vshll.u32 v3, $0xC  }
0x28: {  	s30 =	sand.u32 $0x70, s23;
	[tilespmem:s22+$0x0] =	vst v5;
	v3 =	vadd.s32 v4, v3  }
0x29: {  	s24 =	sadd.s32 s30, s24;
	[tilespmem:s25+$0x0] =	vst v3  }
0x2a: {  	v3 =	vld [tilespmem:s24+$0x0]  }
0x2b: {  	v4 =	vor.u32 s23, v1  }
0x2c: {  	v4 =	vshrl.u32 v4, $0x3  }
0x2d: {  	v4 =	vor.u32 v0, v4  }
0x2e: {  	s24 =	simm.s32 $0x40;
	v5 =	vshll.u32 v4, $0xC  }
0x2f: {  	s28 =	simm.s32 $0x4;
	s30 =	sand.u32 $0x380, s24;
	v5 =	vadd.s32 v5, v3;
	v3 =	vshll.u32 v3, $0xC  }
0x30: {  	s23 =	simm.s32 $0x8460;
	s29 =	sand.u32 $0x40, s24;
	s26 =	sadd.s32 s30, s5;
	[tilespmem:s22+$0x10] =	vst v5;
	v3 =	vadd.s32 v4, v3  }
.LBB2_2:
0x31: {  	s28 =	sadd.s32 $0x4, s28;
	s29 =	sadd.s32 s29, s26;
	[tilespmem:s25+$0x10] =	vst v3;
	s22 =	sadd.s32 $0x40, s22  }
0x32: {  	s25 =	smov.u32 s23;
	p0 =	slt.u32 s28, $0x3C;
	v3 =	vld [tilespmem:s29+$0x0]  }
0x33: {  	v4 =	vor.u32 s24, v1  }
0x34: {  	v4 =	vshrl.u32 v4, $0x3  }
0x35: {  	v4 =	vor.u32 v0, v4  }
0x36: {  	v5 =	vshll.u32 v4, $0xC  }
0x37: {  	s29 =	sadd.s32 $0x10, s24;
	v5 =	vadd.s32 v5, v3;
	v3 =	vshll.u32 v3, $0xC  }
0x38: {  	s30 =	sand.u32 $0x50, s29;
	[tilespmem:s22+$0xFFFFFFE0] =	vst v5;
	v3 =	vadd.s32 v4, v3;
	v4 =	vor.u32 s29, v1  }
0x39: {  	s29 =	sadd.s32 s30, s26;
	[tilespmem:s23+$0xFFFFFFE0] =	vst v3;
	v3 =	vshrl.u32 v4, $0x3  }
0x3a: {  	v4 =	vld [tilespmem:s29+$0x0];
	_ =	sdelay $0x2  }
0x3b: {  	v3 =	vor.u32 v0, v3  }
0x3c: {  	v5 =	vshll.u32 v3, $0xC  }
0x3d: {  	s29 =	sadd.s32 $0x20, s24;
	v5 =	vadd.s32 v5, v4;
	v4 =	vshll.u32 v4, $0xC  }
0x3e: {  	s30 =	sand.u32 $0x60, s29;
	[tilespmem:s22+$0xFFFFFFF0] =	vst v5;
	v3 =	vadd.s32 v3, v4;
	v4 =	vor.u32 s29, v1  }
0x3f: {  	s29 =	sadd.s32 s30, s26;
	[tilespmem:s23+$0xFFFFFFF0] =	vst v3;
	v3 =	vshrl.u32 v4, $0x3  }
0x40: {  	v4 =	vld [tilespmem:s29+$0x0];
	_ =	sdelay $0x2  }
0x41: {  	v3 =	vor.u32 v0, v3  }
0x42: {  	v5 =	vshll.u32 v3, $0xC  }
0x43: {  	s29 =	sadd.s32 $0x30, s24;
	v5 =	vadd.s32 v5, v4;
	v4 =	vshll.u32 v4, $0xC  }
0x44: {  	s30 =	sand.u32 $0x70, s29;
	[tilespmem:s22+$0x0] =	vst v5;
	v3 =	vadd.s32 v3, v4;
	v4 =	vor.u32 s29, v1  }
0x45: {  	s26 =	sadd.s32 s30, s26;
	[tilespmem:s23+$0x0] =	vst v3;
	v3 =	vshrl.u32 v4, $0x3  }
0x46: {  	v4 =	vld [tilespmem:s26+$0x0];
	_ =	sdelay $0x1  }
.Ltmp0:
0x47: {  	(pc) =	sbr.rel @p0 .LBB2_2-.Ltmp0, $4  }
0x48: {  	v3 =	vor.u32 v0, v3  }
0x49: {  	s24 =	sadd.s32 $0x40, s24;
	v5 =	vshll.u32 v3, $0xC  }
0x4a: {  	s26 =	sand.u32 $0x380, s24;
	v5 =	vadd.s32 v5, v4;
	v4 =	vshll.u32 v4, $0xC  }
0x4b: {  	s29 =	sand.u32 $0x40, s24;
	s23 =	sadd.s32 $0x40, s23;
	s26 =	sadd.s32 s26, s5;
	[tilespmem:s22+$0x10] =	vst v5;
	v3 =	vadd.s32 v3, v4  }
0x4c: {  	s28 =	sadd.s32 s29, s26;
	[tilespmem:s25+$0x10] =	vst v3  }
0x4d: {  	v3 =	vld [tilespmem:s28+$0x0]  }
0x4e: {  	v4 =	vor.u32 s24, v1  }
0x4f: {  	v4 =	vshrl.u32 v4, $0x3  }
0x50: {  	v4 =	vor.u32 v0, v4  }
0x51: {  	v5 =	vshll.u32 v4, $0xC  }
0x52: {  	s22 =	sadd.s32 $0x40, s22;
	s30 =	sadd.s32 $0x10, s24;
	v5 =	vadd.s32 v5, v3;
	v3 =	vshll.u32 v3, $0xC  }
0x53: {  	s29 =	sand.u32 $0x50, s30;
	[tilespmem:s22+$0xFFFFFFE0] =	vst v5;
	v3 =	vadd.s32 v4, v3  }
0x54: {  	s28 =	sadd.s32 s29, s26;
	[tilespmem:s23+$0xFFFFFFE0] =	vst v3  }
0x55: {  	v3 =	vld [tilespmem:s28+$0x0]  }
0x56: {  	v4 =	vor.u32 s30, v1  }
0x57: {  	v4 =	vshrl.u32 v4, $0x3  }
0x58: {  	v4 =	vor.u32 v0, v4  }
0x59: {  	v5 =	vshll.u32 v4, $0xC  }
0x5a: {  	s30 =	sadd.s32 $0x20, s24;
	v5 =	vadd.s32 v5, v3;
	v3 =	vshll.u32 v3, $0xC  }
0x5b: {  	s29 =	sand.u32 $0x60, s30;
	[tilespmem:s22+$0xFFFFFFF0] =	vst v5;
	v3 =	vadd.s32 v4, v3  }
0x5c: {  	s28 =	sadd.s32 s29, s26;
	[tilespmem:s23+$0xFFFFFFF0] =	vst v3  }
0x5d: {  	v3 =	vld [tilespmem:s28+$0x0]  }
0x5e: {  	v4 =	vor.u32 s30, v1  }
0x5f: {  	v4 =	vshrl.u32 v4, $0x3  }
0x60: {  	v4 =	vor.u32 v0, v4  }
0x61: {  	v5 =	vshll.u32 v4, $0xC  }
0x62: {  	s30 =	sadd.s32 $0x30, s24;
	v5 =	vadd.s32 v5, v3;
	v3 =	vshll.u32 v3, $0xC  }
0x63: {  	s28 =	sand.u32 $0x70, s30;
	[tilespmem:s22+$0x0] =	vst v5;
	v3 =	vadd.s32 v4, v3  }
0x64: {  	s25 =	sadd.s32 s28, s26;
	[tilespmem:s23+$0x0] =	vst v3  }
0x65: {  	v3 =	vld [tilespmem:s25+$0x0]  }
0x66: {  	v4 =	vor.u32 s30, v1  }
0x67: {  	v4 =	vshrl.u32 v4, $0x3  }
0x68: {  	v4 =	vor.u32 v0, v4  }
0x69: {  	v5 =	vshll.u32 v4, $0xC  }
0x6a: {  	v5 =	vadd.s32 v5, v3;
	v3 =	vshll.u32 v3, $0xC  }
0x6b: {  	[tilespmem:s22+$0x10] =	vst v5;
	v3 =	vadd.s32 v4, v3  }
0x6c: {  	s29 =	simm.s32 $0x8000;
	s30 =	simm.s32 $0x8C00;
	[tilespmem:s23+$0x10] =	vst v3  }
0x6d: {  	[tilespmem:s30], [sflag:$0x1] =	stream.indirect.gather [hbm4b:s4+s9], $0x1, s29, s9, $0xb8;
	[tilespmem:$0x9480] =	vst v63  }
0x6e: {  	s24 =	simm.s32 $0x8400;
	s25 =	simm.s32 $0x9000  }
0x6f: {  	[tilespmem:s25], [sflag:$0x1] =	stream.indirect.gather [hbm4b:s4+s9], $0x1, s24, s9, $0xb8;
	[tilespmem:$0x9480] =	vst v63  }
0x70: {  	s26 =	simm.s32 $0x8080;
	s28 =	simm.s32 $0x8C80  }
0x71: {  	[tilespmem:s28], [sflag:$0x1] =	stream.indirect.gather [hbm4b:s4+s9], $0x1, s26, s9, $0xb8;
	[tilespmem:$0x9480] =	vst v63  }
0x72: {  	s29 =	simm.s32 $0x8480;
	s30 =	simm.s32 $0x9080  }
0x73: {  	[tilespmem:s30], [sflag:$0x1] =	stream.indirect.gather [hbm4b:s4+s9], $0x1, s29, s9, $0xb8;
	[tilespmem:$0x9480] =	vst v63  }
0x74: {  	s24 =	simm.s32 $0x8100;
	s25 =	simm.s32 $0x8D00  }
0x75: {  	[tilespmem:s25], [sflag:$0x1] =	stream.indirect.gather [hbm4b:s4+s9], $0x1, s24, s9, $0xb8;
	[tilespmem:$0x9480] =	vst v63  }
0x76: {  	s26 =	simm.s32 $0x8500;
	s28 =	simm.s32 $0x9100  }
0x77: {  	[tilespmem:s28], [sflag:$0x1] =	stream.indirect.gather [hbm4b:s4+s9], $0x1, s26, s9, $0xb8;
	[tilespmem:$0x9480] =	vst v63  }
0x78: {  	s29 =	simm.s32 $0x8180;
	s30 =	simm.s32 $0x8D80  }
0x79: {  	[tilespmem:s30], [sflag:$0x1] =	stream.indirect.gather [hbm4b:s4+s9], $0x1, s29, s9, $0xb8;
	[tilespmem:$0x9480] =	vst v63  }
0x7a: {  	s23 =	simm.s32 $0x8580;
	s24 =	simm.s32 $0x9180  }
0x7b: {  	[tilespmem:s24], [sflag:$0x1] =	stream.indirect.gather [hbm4b:s4+s9], $0x1, s23, s9, $0xb8;
	[tilespmem:$0x9480] =	vst v63  }
0x7c: {  	s25 =	simm.s32 $0x8200;
	s26 =	simm.s32 $0x8E00  }
0x7d: {  	[tilespmem:s26], [sflag:$0x1] =	stream.indirect.gather [hbm4b:s4+s9], $0x1, s25, s9, $0xb8;
	[tilespmem:$0x9480] =	vst v63  }
0x7e: {  	s28 =	simm.s32 $0x8600;
	s29 =	simm.s32 $0x9200  }
0x7f: {  	[tilespmem:s29], [sflag:$0x1] =	stream.indirect.gather [hbm4b:s4+s9], $0x1, s28, s9, $0xb8;
	[tilespmem:$0x9480] =	vst v63  }
0x80: {  	_ = 	snop  }
0x81: {  	[tilespmem:s0], [sflag:$0x1] =	stream.indirect.gather [hbm4b:s4+s9], $0x1, s31, s9, $0xb8;
	[tilespmem:$0x9480] =	vst v63  }
0x82: {  	_ = 	snop  }
0x83: {  	[tilespmem:s10], [sflag:$0x1] =	stream.indirect.gather [hbm4b:s4+s9], $0x1, s1, s9, $0xb8;
	[tilespmem:$0x9480] =	vst v63  }
0x84: {  	s30 =	simm.s32 $0x0  }
0x85: {  	[tilespmem:s12], [sflag:$0x1] =	stream.indirect.gather [hbm4b:s4+s9], $0x1, s11, s9, $0xb8;
	[tilespmem:$0x9480] =	vst v63  }
0x86: {  	s24 =	sand.u32 $0x380, s30  }
0x87: {  	[tilespmem:s14], [sflag:$0x1] =	stream.indirect.gather [hbm4b:s4+s9], $0x1, s13, s9, $0xb8;
	[tilespmem:$0x9480] =	vst v63  }
0x88: {  	s23 =	sadd.s32 s24, s5;
	s25 =	sand.u32 $0x60, s30  }
0x89: {  	[tilespmem:s16], [sflag:$0x1] =	stream.indirect.gather [hbm4b:s4+s9], $0x1, s15, s9, $0xb8;
	[tilespmem:$0x9480] =	vst v63  }
0x8a: {  	s24 =	sadd.s32 s25, s23  }
0x8b: {  	[tilespmem:s18], [sflag:$0x1] =	stream.indirect.gather [hbm4b:s4+s9], $0x1, s17, s9, $0xb8;
	[tilespmem:$0x9480] =	vst v63  }
0x8c: {  	v3 =	vld [tilespmem:s24+$0x0];
	_ =	sdelay $0x4  }
0x8d: {  	v3 =	vshll.u32 v3, $0x3  }
0x8e: {  	v4 =	vor.u32 $0x1, v3  }
0x8f: {  	v5 =	vor.u32 $0x2, v3  }
0x90: {  	v6 =	vor.u32 $0x3, v3  }
0x91: {  	v7 =	vor.u32 $0x4, v3  }
0x92: {  	v8 =	vor.u32 $0x5, v3;
	v9 =	vld.idx.msk [tilespmem:v3+s2+$0x0], $0xffff  }
0x93: {  	v10 =	vor.u32 $0x6, v3;
	v4 =	vld.idx.msk [tilespmem:v4+s2+$0x0], $0xffff  }
0x94: {  	v3 =	vor.u32 $0x7, v3;
	v5 =	vld.idx.msk [tilespmem:v5+s2+$0x0], $0xffff  }
0x95: {  	v11 =	vor.u32 s30, v1;
	v6 =	vld.idx.msk [tilespmem:v6+s2+$0x0], $0xffff  }
0x96: {  	v11 =	vshrl.u32 v11, $0x3;
	v7 =	vld.idx.msk [tilespmem:v7+s2+$0x0], $0xffff  }
0x97: {  	v11 =	vor.u32 v0, v11;
	v8 =	vld.idx.msk [tilespmem:v8+s2+$0x0], $0xffff  }
0x98: {  	v10 =	vld.idx.msk [tilespmem:v10+s2+$0x0], $0xffff;
	vm0 =	veq.s32 v9, v11;
	vm1 =	veq.s32 v4, v11  }
0x99: {  	v3 =	vld.idx.msk [tilespmem:v3+s2+$0x0], $0xffff;
	vm14 =	veq.s32 v5, v11;
	vm0 =	vmor vm0, vm1  }
0x9a: {  	vm15 =	veq.s32 v6, v11;
	vm0 =	vmor vm0, vm14  }
0x9b: {  	vm4 =	veq.s32 v7, v11;
	vm0 =	vmor vm0, vm15  }
0x9c: {  	vm5 =	veq.s32 v8, v11;
	vm0 =	vmor vm0, vm4  }
0x9d: {  	vm6 =	veq.s32 v10, v11;
	vm0 =	vmor vm0, vm5  }
0x9e: {  	vm7 =	veq.s32 v3, v11;
	vm0 =	vmor vm0, vm6  }
0x9f: {  	s26 =	simm.s32 $0x10;
	vm0 =	vmor vm0, vm7  }
0xa0: {  	s22 =	simm.s32 $0x8810;
	s28 =	sand.u32 $0x70, s26;
	v3 =	vsel vm0, $0x0, v2  }
0xa1: {  	s23 =	sadd.s32 s28, s23;
	[tilespmem:s22+$0xFFFFFFF0] =	vst v3  }
0xa2: {  	v3 =	vld [tilespmem:s23+$0x0];
	_ =	sdelay $0x4  }
0xa3: {  	v3 =	vshll.u32 v3, $0x3  }
0xa4: {  	v4 =	vor.u32 $0x1, v3  }
0xa5: {  	v5 =	vor.u32 $0x2, v3  }
0xa6: {  	v6 =	vor.u32 $0x3, v3  }
0xa7: {  	v7 =	vor.u32 $0x4, v3  }
0xa8: {  	v60 =	vor.u32 $0x5, v3;
	v61 =	vld.idx.msk [tilespmem:v3+s2+$0x0], $0xffff  }
0xa9: {  	v62 =	vor.u32 $0x6, v3;
	v4 =	vld.idx.msk [tilespmem:v4+s2+$0x0], $0xffff  }
0xaa: {  	v3 =	vor.u32 $0x7, v3;
	v5 =	vld.idx.msk [tilespmem:v5+s2+$0x0], $0xffff  }
0xab: {  	v63 =	vor.u32 s26, v1;
	v6 =	vld.idx.msk [tilespmem:v6+s2+$0x0], $0xffff  }
0xac: {  	v11 =	vshrl.u32 v63, $0x3;
	v7 =	vld.idx.msk [tilespmem:v7+s2+$0x0], $0xffff  }
0xad: {  	v11 =	vor.u32 v0, v11;
	v8 =	vld.idx.msk [tilespmem:v60+s2+$0x0], $0xffff  }
0xae: {  	v10 =	vld.idx.msk [tilespmem:v62+s2+$0x0], $0xffff;
	vm8 =	veq.s32 v61, v11;
	vm9 =	veq.s32 v4, v11  }
0xaf: {  	v3 =	vld.idx.msk [tilespmem:v3+s2+$0x0], $0xffff;
	vm10 =	veq.s32 v5, v11;
	vm0 =	vmor vm8, vm9  }
0xb0: {  	vm11 =	veq.s32 v6, v11;
	vm0 =	vmor vm0, vm10  }
0xb1: {  	vm12 =	veq.s32 v7, v11;
	vm0 =	vmor vm0, vm11  }
0xb2: {  	vm13 =	veq.s32 v8, v11;
	vm0 =	vmor vm0, vm12  }
0xb3: {  	vm14 =	veq.s32 v10, v11;
	vm0 =	vmor vm0, vm13  }
0xb4: {  	s29 =	simm.s32 $0x20;
	vm15 =	veq.s32 v3, v11;
	vm0 =	vmor vm0, vm14  }
0xb5: {  	s30 =	sand.u32 $0x380, s29;
	s26 =	sand.u32 $0x60, s29;
	v3 =	vor.u32 s29, v1;
	vm0 =	vmor vm0, vm15  }
0xb6: {  	s25 =	sadd.s32 s30, s5;
	s24 =	simm.s32 $0x2;
	s23 =	simm.s32 $0x30;
	v3 =	vshrl.u32 v3, $0x3;
	v4 =	vsel vm0, $0x0, v2  }
.LBB2_4:
0xb7: {  	s24 =	sadd.s32 $0x2, s24;
	s26 =	sadd.s32 s26, s25;
	[tilespmem:s22+$0x0] =	vst v4;
	s22 =	sadd.s32 $0x20, s22  }
0xb8: {  	p0 =	slt.u32 s24, $0x3E;
	v4 =	vld [tilespmem:s26+$0x0];
	_ =	sdelay $0x4  }
0xb9: {  	v4 =	vshll.u32 v4, $0x3  }
0xba: {  	v5 =	vor.u32 $0x1, v4;
	v6 =	vor.u32 $0x2, v4;
	v7 =	vor.u32 $0x3, v4  }
0xbb: {  	v8 =	vor.u32 $0x4, v4;
	v9 =	vor.u32 $0x5, v4;
	v10 =	vor.u32 $0x6, v4  }
0xbc: {  	v11 =	vor.u32 $0x7, v4;
	_ =	sdelay $0x1  }
0xbd: {  	v4 =	vld.idx.msk [tilespmem:v4+s2+$0x0], $0xffff  }
0xbe: {  	v5 =	vld.idx.msk [tilespmem:v5+s2+$0x0], $0xffff  }
0xbf: {  	v6 =	vld.idx.msk [tilespmem:v6+s2+$0x0], $0xffff  }
0xc0: {  	v7 =	vld.idx.msk [tilespmem:v7+s2+$0x0], $0xffff  }
0xc1: {  	v8 =	vld.idx.msk [tilespmem:v8+s2+$0x0], $0xffff  }
0xc2: {  	v9 =	vld.idx.msk [tilespmem:v9+s2+$0x0], $0xffff  }
0xc3: {  	v3 =	vor.u32 v0, v3;
	v10 =	vld.idx.msk [tilespmem:v10+s2+$0x0], $0xffff  }
0xc4: {  	vm0 =	veq.s32 v4, v3;
	vm1 =	veq.s32 v5, v3;
	v4 =	vld.idx.msk [tilespmem:v11+s2+$0x0], $0xffff  }
0xc5: {  	vm0 =	vmor vm0, vm1;
	vm1 =	veq.s32 v6, v3  }
0xc6: {  	vm0 =	vmor vm0, vm1;
	vm1 =	veq.s32 v7, v3  }
0xc7: {  	vm0 =	vmor vm0, vm1;
	vm1 =	veq.s32 v8, v3  }
0xc8: {  	vm0 =	vmor vm0, vm1;
	vm1 =	veq.s32 v9, v3  }
0xc9: {  	vm0 =	vmor vm0, vm1;
	vm1 =	veq.s32 v10, v3  }
0xca: {  	vm0 =	vmor vm0, vm1;
	vm1 =	veq.s32 v4, v3  }
0xcb: {  	vm0 =	vmor vm0, vm1  }
0xcc: {  	s26 =	sand.u32 $0x70, s23;
	v3 =	vsel vm0, $0x0, v2  }
0xcd: {  	s25 =	sadd.s32 s26, s25;
	[tilespmem:s22+$0xFFFFFFF0] =	vst v3  }
0xce: {  	v3 =	vld [tilespmem:s25+$0x0];
	_ =	sdelay $0x4  }
0xcf: {  	v3 =	vshll.u32 v3, $0x3  }
0xd0: {  	v4 =	vor.u32 $0x1, v3;
	v5 =	vor.u32 $0x2, v3;
	v6 =	vor.u32 $0x3, v3  }
0xd1: {  	v7 =	vor.u32 $0x4, v3;
	v8 =	vor.u32 $0x5, v3;
	v9 =	vor.u32 $0x6, v3  }
0xd2: {  	v10 =	vor.u32 $0x7, v3;
	_ =	sdelay $0x1  }
0xd3: {  	v3 =	vld.idx.msk [tilespmem:v3+s2+$0x0], $0xffff  }
0xd4: {  	v4 =	vld.idx.msk [tilespmem:v4+s2+$0x0], $0xffff  }
0xd5: {  	v5 =	vld.idx.msk [tilespmem:v5+s2+$0x0], $0xffff  }
0xd6: {  	v6 =	vld.idx.msk [tilespmem:v6+s2+$0x0], $0xffff  }
0xd7: {  	v11 =	vor.u32 s23, v1;
	v7 =	vld.idx.msk [tilespmem:v7+s2+$0x0], $0xffff  }
0xd8: {  	v11 =	vshrl.u32 v11, $0x3;
	v8 =	vld.idx.msk [tilespmem:v8+s2+$0x0], $0xffff  }
0xd9: {  	v11 =	vor.u32 v0, v11;
	v9 =	vld.idx.msk [tilespmem:v9+s2+$0x0], $0xffff  }
0xda: {  	vm0 =	veq.s32 v3, v11;
	vm1 =	veq.s32 v4, v11;
	v3 =	vld.idx.msk [tilespmem:v10+s2+$0x0], $0xffff  }
0xdb: {  	vm0 =	vmor vm0, vm1;
	vm1 =	veq.s32 v5, v11  }
0xdc: {  	vm0 =	vmor vm0, vm1;
	vm1 =	veq.s32 v6, v11  }
0xdd: {  	vm0 =	vmor vm0, vm1;
	vm1 =	veq.s32 v7, v11  }
.Ltmp1:
0xde: {  	vm0 =	vmor vm0, vm1;
	vm1 =	veq.s32 v8, v11;
	(pc) =	sbr.rel @p0 .LBB2_4-.Ltmp1, $4  }
0xdf: {  	s23 =	sadd.s32 $0x20, s23;
	vm0 =	vmor vm0, vm1;
	vm1 =	veq.s32 v9, v11  }
0xe0: {  	s25 =	sadd.s32 $0xFFFFFFF0, s23;
	vm0 =	vmor vm0, vm1;
	vm1 =	veq.s32 v3, v11  }
0xe1: {  	s28 =	sand.u32 $0x380, s25;
	v3 =	vor.u32 s25, v1;
	vm0 =	vmor vm0, vm1  }
0xe2: {  	s26 =	sand.u32 $0x60, s25;
	s25 =	sadd.s32 s28, s5;
	v3 =	vshrl.u32 v3, $0x3;
	v4 =	vsel vm0, $0x0, v2  }
0xe3: {  	s24 =	sadd.s32 s26, s25;
	[tilespmem:s22+$0x0] =	vst v4  }
0xe4: {  	v4 =	vld [tilespmem:s24+$0x0];
	_ =	sdelay $0x4  }
0xe5: {  	v4 =	vshll.u32 v4, $0x3  }
0xe6: {  	v5 =	vor.u32 $0x1, v4  }
0xe7: {  	v6 =	vor.u32 $0x2, v4  }
0xe8: {  	v7 =	vor.u32 $0x3, v4  }
0xe9: {  	v8 =	vor.u32 $0x4, v4  }
0xea: {  	v9 =	vor.u32 $0x5, v4;
	v10 =	vld.idx.msk [tilespmem:v4+s2+$0x0], $0xffff  }
0xeb: {  	v11 =	vor.u32 $0x6, v4;
	v5 =	vld.idx.msk [tilespmem:v5+s2+$0x0], $0xffff  }
0xec: {  	v4 =	vor.u32 $0x7, v4;
	v6 =	vld.idx.msk [tilespmem:v6+s2+$0x0], $0xffff  }
0xed: {  	v7 =	vld.idx.msk [tilespmem:v7+s2+$0x0], $0xffff  }
0xee: {  	v8 =	vld.idx.msk [tilespmem:v8+s2+$0x0], $0xffff  }
0xef: {  	v3 =	vor.u32 v0, v3;
	v9 =	vld.idx.msk [tilespmem:v9+s2+$0x0], $0xffff  }
0xf0: {  	v11 =	vld.idx.msk [tilespmem:v11+s2+$0x0], $0xffff;
	vm0 =	veq.s32 v10, v3;
	vm1 =	veq.s32 v5, v3  }
0xf1: {  	v4 =	vld.idx.msk [tilespmem:v4+s2+$0x0], $0xffff;
	vm14 =	veq.s32 v6, v3;
	vm0 =	vmor vm0, vm1  }
0xf2: {  	vm15 =	veq.s32 v7, v3;
	vm0 =	vmor vm0, vm14  }
0xf3: {  	vm4 =	veq.s32 v8, v3;
	vm0 =	vmor vm0, vm15  }
0xf4: {  	vm5 =	veq.s32 v9, v3;
	vm0 =	vmor vm0, vm4  }
0xf5: {  	vm6 =	veq.s32 v11, v3;
	vm0 =	vmor vm0, vm5  }
0xf6: {  	vm7 =	veq.s32 v4, v3;
	vm0 =	vmor vm0, vm6  }
0xf7: {  	vm0 =	vmor vm0, vm7  }
0xf8: {  	s28 =	sadd.s32 $0x20, s22;
	s29 =	sand.u32 $0x70, s23;
	v3 =	vsel vm0, $0x0, v2  }
0xf9: {  	s24 =	sadd.s32 s29, s25;
	[tilespmem:s28+$0xFFFFFFF0] =	vst v3  }
0xfa: {  	v3 =	vld [tilespmem:s24+$0x0];
	_ =	sdelay $0x4  }
0xfb: {  	v3 =	vshll.u32 v3, $0x3  }
0xfc: {  	v4 =	vor.u32 $0x1, v3  }
0xfd: {  	v5 =	vor.u32 $0x2, v3  }
0xfe: {  	v6 =	vor.u32 $0x3, v3  }
0xff: {  	v7 =	vor.u32 $0x4, v3  }
0x100: {  	v8 =	vor.u32 $0x5, v3;
	v9 =	vld.idx.msk [tilespmem:v3+s2+$0x0], $0xffff  }
0x101: {  	v10 =	vor.u32 $0x6, v3;
	v4 =	vld.idx.msk [tilespmem:v4+s2+$0x0], $0xffff  }
0x102: {  	v3 =	vor.u32 $0x7, v3;
	v5 =	vld.idx.msk [tilespmem:v5+s2+$0x0], $0xffff  }
0x103: {  	v11 =	vor.u32 s23, v1;
	v6 =	vld.idx.msk [tilespmem:v6+s2+$0x0], $0xffff  }
0x104: {  	v11 =	vshrl.u32 v11, $0x3;
	v7 =	vld.idx.msk [tilespmem:v7+s2+$0x0], $0xffff  }
0x105: {  	v11 =	vor.u32 v0, v11;
	v8 =	vld.idx.msk [tilespmem:v8+s2+$0x0], $0xffff  }
0x106: {  	v10 =	vld.idx.msk [tilespmem:v10+s2+$0x0], $0xffff;
	vm8 =	veq.s32 v9, v11;
	vm9 =	veq.s32 v4, v11  }
0x107: {  	v3 =	vld.idx.msk [tilespmem:v3+s2+$0x0], $0xffff;
	vm10 =	veq.s32 v5, v11;
	vm0 =	vmor vm8, vm9  }
0x108: {  	vm11 =	veq.s32 v6, v11;
	vm0 =	vmor vm0, vm10  }
0x109: {  	vm12 =	veq.s32 v7, v11;
	vm0 =	vmor vm0, vm11  }
0x10a: {  	vm13 =	veq.s32 v8, v11;
	vm0 =	vmor vm0, vm12  }
0x10b: {  	vm14 =	veq.s32 v10, v11;
	vm0 =	vmor vm0, vm13  }
0x10c: {  	vm15 =	veq.s32 v3, v11;
	vm0 =	vmor vm0, vm14  }
0x10d: {  	vm0 =	vmor vm0, vm15  }
0x10e: {  	v3 =	vsel vm0, $0x0, v2  }
0x10f: {  	[tilespmem:s28+$0x0] =	vst v3  }
0x110: {  	_ =	swait.ge [sflag:s19], $0x80  }
0x111: {  	[sflag:s19] =	ssyncset.done $0x0  }
0x112: {  	[sflag:s19] =	ssyncadd.s32 $0xFFFFFF80  }
0x113: {  	_ =	swait.ge [sflag:s19], $0x80  }
0x114: {  	[sflag:s19] =	ssyncset.done $0x0  }
0x115: {  	[sflag:s19] =	ssyncadd.s32 $0xFFFFFF80  }
0x116: {  	_ =	swait.ge [sflag:s19], $0x80  }
0x117: {  	[sflag:s19] =	ssyncset.done $0x0  }
0x118: {  	[sflag:s19] =	ssyncadd.s32 $0xFFFFFF80  }
0x119: {  	_ =	swait.ge [sflag:s19], $0x80  }
0x11a: {  	[sflag:s19] =	ssyncset.done $0x0  }
0x11b: {  	[sflag:s19] =	ssyncadd.s32 $0xFFFFFF80  }
0x11c: {  	_ =	swait.ge [sflag:s19], $0x80  }
0x11d: {  	[sflag:s19] =	ssyncset.done $0x0  }
0x11e: {  	[sflag:s19] =	ssyncadd.s32 $0xFFFFFF80  }
0x11f: {  	_ =	swait.ge [sflag:s19], $0x80  }
0x120: {  	[sflag:s19] =	ssyncset.done $0x0  }
0x121: {  	[sflag:s19] =	ssyncadd.s32 $0xFFFFFF80  }
0x122: {  	_ =	swait.ge [sflag:s19], $0x80  }
0x123: {  	[sflag:s19] =	ssyncset.done $0x0  }
0x124: {  	[sflag:s19] =	ssyncadd.s32 $0xFFFFFF80  }
0x125: {  	_ =	swait.ge [sflag:s19], $0x80  }
0x126: {  	[sflag:s19] =	ssyncset.done $0x0  }
0x127: {  	[sflag:s19] =	ssyncadd.s32 $0xFFFFFF80  }
0x128: {  	_ =	swait.ge [sflag:s19], $0x80  }
0x129: {  	[sflag:s19] =	ssyncset.done $0x0  }
0x12a: {  	[sflag:s19] =	ssyncadd.s32 $0xFFFFFF80  }
0x12b: {  	_ =	swait.ge [sflag:s19], $0x80  }
0x12c: {  	[sflag:s19] =	ssyncset.done $0x0  }
0x12d: {  	[sflag:s19] =	ssyncadd.s32 $0xFFFFFF80  }
0x12e: {  	_ =	swait.ge [sflag:s19], $0x80  }
0x12f: {  	[sflag:s19] =	ssyncset.done $0x0  }
0x130: {  	[sflag:s19] =	ssyncadd.s32 $0xFFFFFF80  }
0x131: {  	_ =	swait.ge [sflag:s19], $0x80  }
0x132: {  	[sflag:s19] =	ssyncset.done $0x0  }
0x133: {  	[sflag:s19] =	ssyncadd.s32 $0xFFFFFF80  }
0x134: {  	_ =	swait.ge [sflag:s19], $0x80  }
0x135: {  	[sflag:s19] =	ssyncset.done $0x0  }
0x136: {  	[sflag:s19] =	ssyncadd.s32 $0xFFFFFF80  }
0x137: {  	_ =	swait.ge [sflag:s19], $0x80  }
0x138: {  	[sflag:s19] =	ssyncset.done $0x0  }
0x139: {  	[sflag:s19] =	ssyncadd.s32 $0xFFFFFF80  }
0x13a: {  	_ =	swait.ge [sflag:s19], $0x80  }
0x13b: {  	[sflag:s19] =	ssyncset.done $0x0  }
0x13c: {  	[sflag:s19] =	ssyncadd.s32 $0xFFFFFF80  }
0x13d: {  	_ =	swait.ge [sflag:s19], $0x80  }
0x13e: {  	[sflag:s19] =	ssyncset.done $0x0  }
0x13f: {  	s30 =	simm.s32 $0x8C20;
	[sflag:s19] =	ssyncadd.s32 $0xFFFFFF80  }
0x140: {  	s22 =	simm.s32 $0x9020;
	v3 =	vld [tilespmem:s30+$0xFFFFFFE0]  }
0x141: {  	v4 =	vld [tilespmem:s22+$0xFFFFFFE0]  }
0x142: {  	s23 =	simm.s32 $0x8820  }
0x143: {  	v5 =	vld [tilespmem:s23+$0xFFFFFFE0]  }
0x144: {  	v6 =	vld [tilespmem:s30+$0xFFFFFFF0]  }
0x145: {  	v7 =	vld [tilespmem:s22+$0xFFFFFFF0]  }
0x146: {  	v3 =	vadd.f32 v3, v3;
	v4 =	vadd.f32 v4, v4  }
0x147: {  	v8 =	vld [tilespmem:s30+$0x0]  }
0x148: {  	v10 =	vld [tilespmem:s23+$0xFFFFFFF0];
	v3 =	vsub.f32 $1.000000000e+00, v3;
	v4 =	vsub.f32 $1.000000000e+00, v4  }
0x149: {  	v9 =	vimm.f32 $0.0e+00;
	v11 =	vld [tilespmem:s22+$0x0];
	v6 =	vadd.f32 v6, v6  }
0x14a: {  	v9 =	vadd.f32 v3, v9;
	v4 =	vmul.f32 v4, v5;
	v5 =	vadd.f32 v7, v7  }
0x14b: {  	v7 =	vsub.f32 $1.000000000e+00, v6;
	v3 =	vld [tilespmem:s23+$0x0]  }
0x14c: {  	v6 =	vld [tilespmem:s30+$0x10];
	v4 =	vadd.f32 v4, v9;
	v9 =	vsub.f32 $1.000000000e+00, v5  }
0x14d: {  	v12 =	vadd.f32 v8, v8;
	v5 =	vld [tilespmem:s22+$0x10]  }
0x14e: {  	v8 =	vadd.f32 v4, v7;
	v9 =	vmul.f32 v9, v10;
	v10 =	vadd.f32 v11, v11  }
0x14f: {  	s25 =	simm.s32 $0x8C60;
	s24 =	simm.s32 $0x0;
	v7 =	vsub.f32 $1.000000000e+00, v12;
	v4 =	vld [tilespmem:s23+$0x10]  }
.LBB2_6:
0x150: {  	v11 =	vld [tilespmem:s25+$0xFFFFFFE0];
	v8 =	vadd.f32 v9, v8;
	v9 =	vsub.f32 $1.000000000e+00, v10;
	s22 =	sadd.s32 $0x40, s22  }
0x151: {  	s24 =	sadd.s32 $0x4, s24;
	v10 =	vld [tilespmem:s22+$0xFFFFFFE0];
	v6 =	vadd.f32 v6, v6  }
0x152: {  	s23 =	sadd.s32 $0x40, s23;
	p0 =	slt.u32 s24, $0x3C;
	v7 =	vadd.f32 v8, v7;
	v3 =	vmul.f32 v9, v3;
	v5 =	vadd.f32 v5, v5  }
0x153: {  	v8 =	vld [tilespmem:s23+$0xFFFFFFE0];
	v6 =	vsub.f32 $1.000000000e+00, v6  }
0x154: {  	v9 =	vld [tilespmem:s25+$0xFFFFFFF0];
	v3 =	vadd.f32 v3, v7;
	v5 =	vsub.f32 $1.000000000e+00, v5  }
0x155: {  	v7 =	vadd.f32 v11, v11;
	v11 =	vld [tilespmem:s22+$0xFFFFFFF0]  }
0x156: {  	v10 =	vadd.f32 v10, v10;
	v3 =	vadd.f32 v3, v6;
	v4 =	vmul.f32 v5, v4  }
0x157: {  	v5 =	vsub.f32 $1.000000000e+00, v7;
	v7 =	vld [tilespmem:s23+$0xFFFFFFF0]  }
0x158: {  	v6 =	vsub.f32 $1.000000000e+00, v10;
	v10 =	vld [tilespmem:s25+$0x0];
	v3 =	vadd.f32 v4, v3  }
0x159: {  	v4 =	vadd.f32 v9, v9;
	v12 =	vld [tilespmem:s22+$0x0]  }
0x15a: {  	v5 =	vadd.f32 v5, v3;
	v6 =	vmul.f32 v6, v8;
	v8 =	vadd.f32 v11, v11  }
.Ltmp2:
0x15b: {  	v4 =	vsub.f32 $1.000000000e+00, v4;
	v3 =	vld [tilespmem:s23+$0x0];
	(pc) =	sbr.rel @p0 .LBB2_6-.Ltmp2, $4  }
0x15c: {  	v9 =	vadd.f32 v6, v5;
	v11 =	vsub.f32 $1.000000000e+00, v8;
	v6 =	vld [tilespmem:s25+$0x10]  }
0x15d: {  	v13 =	vadd.f32 v10, v10;
	v5 =	vld [tilespmem:s22+$0x10]  }
0x15e: {  	v8 =	vadd.f32 v9, v4;
	v9 =	vmul.f32 v11, v7;
	v10 =	vadd.f32 v12, v12  }
0x15f: {  	s25 =	sadd.s32 $0x40, s25;
	v7 =	vsub.f32 $1.000000000e+00, v13;
	v4 =	vld [tilespmem:s23+$0x10]  }
0x160: {  	v8 =	vadd.f32 v9, v8;
	v63 =	vsub.f32 $1.000000000e+00, v10  }
0x161: {  	v6 =	vadd.f32 v6, v6  }
0x162: {  	v7 =	vadd.f32 v8, v7;
	v3 =	vmul.f32 v63, v3;
	v5 =	vadd.f32 v5, v5  }
0x163: {  	v6 =	vsub.f32 $1.000000000e+00, v6  }
0x164: {  	v3 =	vadd.f32 v3, v7;
	v5 =	vsub.f32 $1.000000000e+00, v5;
	_ =	sdelay $0x1  }
0x165: {  	v3 =	vadd.f32 v3, v6;
	v4 =	vmul.f32 v5, v4;
	_ =	sdelay $0x1  }
0x166: {  	s21 =	sadd.s32 $0x1, s21;
	v3 =	vadd.f32 v4, v3  }
0x167: {  	p0 =	sne.s32 s21, s7  }
.Ltmp3:
0x168: {  	[tilespmem:$0x9400] =	vst v3;
	(pc) =	sbr.rel @p0 .LBB2_1-.Ltmp3, $4  }
0x169: {  	[hbm4b:s6+s2] =	stream.linear.scatter [tilespmem:s20], [sflag:$0x2], $0x80, $0x38;
	[tilespmem:$0x9480] =	vst v63  }
0x16a: {  	_ =	swait.ge [sflag:s8], $0x80  }
0x16b: {  	[sflag:s8] =	ssyncset.done $0x0  }
0x16c: {  	[sflag:s8] =	ssyncadd.s32 $0xFFFFFF80  }
0x16d: {  	_ =	sfence.sel $0x180000  }
0x16e: {  	[bflag:$0x0] =	sbarrier.arrive $0xFFFF  }
0x16f: {  	_ =	strace $0x9000004A  }
0x170: {  	s0 =	stileid.u32;
	[bflag:$0x2] =	sbarrier.arrive $0xFFFF  }
0x171: {  	p0 =	sne.s32 s0, $0x0;
	s0 =	rddreg [dreg:$0x1]  }
0x172: {  	s0 =	sadd.s32 @!p0 $0x100000, s0  }
0x173: {  	[sflag:s0] =	ssyncadd.tile.s32 @!p0 $0x1;
	_ =	shalt  }
.Lfunc_end2:
_tile_overlayer_lowered:
.L_overlay_start_2:
0x174: {  	(tag) =	ssettag $0x2  }
0x175: {  	s0 =	rddreg [dreg:$0x0];
	s2 =	stileid.u32  }
0x176: {  	s1 =	rddreg [dreg:$0x1];
	p0 =	sne.s32 s2, $0x0  }
0x177: {  	s3 =	rddreg [dreg:$0x2];
	[bflag:$0x3] =	sbarrier.arrive $0xFFFF;
	s2 =	simm.s32 @!p0 $0x1C02  }
0x178: {  	[timem:s3], [sflag:s2] =	dma.local @!p0 [hbm:s0], s1  }
0x179: {  	s0 =	simm.s32 @!p0 $0x2  }
0x17a: {  	_ =	swait.ge @!p0 [sflag:s0], s1  }
0x17b: {  	s1 =	ssub.s32 @!p0 $0x0, s1;
	[sflag:s0] =	ssyncset.done @!p0 $0x0  }
0x17c: {  	[sflag:s0] =	ssyncadd.s32 @!p0 s1  }
0x17d: {  	[bflag:$0x3] =	sbarrier.arrive $0xFFFF  }
0x17e: {  	_ =	shalt  }

// kernel: sparse-core-data-format-call.cloned.1.call-start
scs
called_computation_lowered:
.L_overlay_start_0:
0x0: {  	s2 =	sld [smem:$0x3FD9]  }
0x1: {  	s3 =	sld [smem:$0x3FFE];
	_ =	sdelay $0x1  }
0x2: {  	s1 =	srdreg.scid  }
0x3: {  	s0 =	sand.u32 $0x1, s1  }
0x4: {  	s18 =	sshll.u32 s0, $0xA;
	s2 =	sadd.s32 s3, s2  }
0x5: {  	s2 =	sadd.s32 s2, s18  }
0x6: {  	[smem:$0x3FC6] =	sst s2  }
0x7: {  	_ = 	snop  }
0x8: {  	s2 =	sld [smem:$0x3FC8];
	(tm) =	ssettm $0x1  }
0x9: {  	s19 =	sld [smem:$0x3FFB];
	_ =	sdelay $0x3  }
0xa: {  	_ =	strace s19  }
0xb: {  	s3 =	sld [smem:$0x3FFC];
	_ =	sdelay $0x3  }
0xc: {  	_ =	strace s3  }
0xd: {  	s3 =	sld [smem:$0x3FFD];
	_ =	sdelay $0x3  }
0xe: {  	_ =	strace s3  }
0xf: {  	_ =	strace $0x8FFFFFFF  }
0x10: {  	s20 =	sld [smem:$0x3FDB];
	_ =	sdelay $0x1  }
0x11: {  	s4 =	simm.s32 $_scs_section_size  }
0x12: {  	s5 =	simm.s32 $_size__tile_overlayer_lowered;
	s6 =	simm.s32 $_tile_overlayer_lowered  }
0x13: {  	s23 =	simm.s32 $0x1BFF;
	s22 =	sshll.u32 s6, $0x1;
	s3 =	sadd.s32 s4, s20  }
0x14: {  	s7 =	simm.s32 $0x0;
	s21 =	sshll.u32 s5, $0x1;
	s5 =	sadd.s32 s22, s3  }
0x15: {  	[timem:s7], [sflag:s23] =	dma.local [hbm:s5], s21  }
0x16: {  	_ =	swait.ge [sflag:s23], s21  }
0x17: {  	s4 =	ssub.s32 $0x0, s21;
	[sflag:s23] =	ssyncset.done $0x0  }
0x18: {  	[sflag:s23] =	ssyncadd.s32 s4;
	_ =	sdelay $0x1  }
0x19: {  	s24 =	simm.s32 $0x1B8B  }
0x1a: {  	_ =	swait.ge [sflag:s24], $0x1  }
0x1b: {  	[sflag:s24] =	ssyncset.done $0x0  }
0x1c: {  	s26 =	simm.s32 $0x1B8E;
	s25 =	sld [smem:$0x3FFE];
	[sflag:s24] =	ssyncadd.s32 $0xFFFFFFFF  }
0x1d: {  	s27 =	simm.s32 $execute0_lowered;
	[smem:$0x3FD2] =	sst s26  }
0x1e: {  	s5 =	sshll.u32 s27, $0x1;
	_ =	strace $0x80000046;
	[dreg:$0x1] =	wrdreg $0xFFFFFFFF  }
0x1f: {  	s28 =	simm.s32 $_size_execute0_lowered;
	s3 =	sadd.s32 s3, s5;
	[dreg:$0x0] =	wrdreg $0x0  }
0x20: {  	s5 =	sshll.u32 s28, $0x1;
	[dreg:$0x2] =	wrdreg s3  }
0x21: {  	[dreg:$0x3] =	wrdreg s5  }
0x22: {  	[dreg:$0x4] =	wrdreg $0xC0  }
0x23: {  	_ =	task [dreg:s7], $0x5FFFF  }
0x24: {  	[dreg:$0x1] =	wrdreg $0xFFFFFFFF  }
0x25: {  	[dreg:$0x0] =	wrdreg $0x60  }
0x26: {  	[dreg:$0x2] =	wrdreg s2  }
0x27: {  	[dreg:$0x3] =	wrdreg s25  }
0x28: {  	[dreg:$0x4] =	wrdreg $0x9  }
0x29: {  	_ =	task.clear_ibuf [dreg:s7], $0x5FFFF;
	_ =	strace $0x90000046  }
0x2a: {  	s29 =	simm.s32 $0x9;
	_ =	strace $0x80000048  }
0x2b: {  	_ =	swait.ge [sflag:s29], $0x1  }
0x2c: {  	[sflag:s29] =	ssyncadd.s32 $0xFFFFFFFF  }
0x2d: {  	_ =	strace $0x90000048  }
0x2e: {  	_ =	sfence  }
0x2f: {  	s30 =	sld [smem:$0x0];
	_ =	sdelay $0x2  }
0x30: {  	s31 =	sshll.u32 s1, $0xD;
	s1 =	sshrl.u32 s1, $0x2  }
0x31: {  	s3 =	sand.u32 $0x4000, s31;
	s1 =	sadd.s32 s1, s30  }
0x32: {  	s0 =	sor.u32 s3, s0;
	s1 =	sshll.u32 s1, $0x11  }
0x33: {  	s0 =	sor.u32 s1, s0  }
0x34: {  	s0 =	sadd.s32 $0x8F2B, s0  }
0x35: {  	[sflag:s0] =	ssyncadd.remote.s32 $0x1  }
0x36: {  	_ =	sfence.sel $0xFFFF  }
0x37: {  	[dreg:$0x0] =	wrdreg $0xFFFFFFFF;
	(pc) =	sbr.abs _section_cstart, $3  }
0x38: {  	[dreg:$0x1] =	wrdreg $0xFFFFFFFF  }
0x39: {  	_ =	task.clear_ibuf [dreg:s7], $0x2FFFF;
	_ =	strace $0x9FFFFFFF  }
0x3a: {  	(tm) =	ssettm $0x7FFFFFFF  }
0x3b: {  	_ =	shalt  }
tec
execute0_lowered:
.L_overlay_start_1:
0x0: {  	(tag) =	ssettag $0x1  }
0x1: {  	s2 =	rddreg [dreg:$0x0]  }
0x2: {  	s1 =	rddreg [dreg:$0x1]  }
0x3: {  	s0 =	rddreg [dreg:$0x2];
	_ =	strace $0x80000047;
	s4 =	srdreg.scid  }
0x4: {  	s6 =	simm.s32 $0x2;
	s11 =	simm.s32 $0x0;
	p0 =	por $0x0, $0x0  }
.Ltmp0:
0x5: {  	s7 =	simm.s32 $0x1000;
	s12 =	simm.s32 $0x0;
	(pc) =	sbr.rel .LBB1_1-.Ltmp0, $4  }
0x6: {  	s9 =	simm.s32 $0x0;
	s3 =	sadd.s32 $0x200, s1;
	s5 =	sshll.u32 s4, $0x4  }
0x7: {  	s1 =	stileid.u32;
	s4 =	simm.s32 $0x1;
	s5 =	sand.u32 $0x10, s5  }
0x8: {  	s8 =	simm.s32 $0x0;
	[sflag:s4] =	ssyncpa.u1 $0x0;
	s5 =	sor.u32 s1, s5  }
0x9: {  	[sflag:s6] =	ssyncpa.u1 $0x0;
	s6 =	simm.s32 $0x800;
	s10 =	smov.u32 s5  }
.LBB1_7:
0xa: {  	s13 =	sadd.s32 $0x10, s9  }
0xb: {  	s11 =	sadd.s32 $0x20, s10;
	s15 =	smov.u32 s10;
	p2 =	sgt.s32 s13, $0x1F  }
0xc: {  	p1 =	slt.u32 s8, $0x2;
	s15 =	smov.u32 @p2 s11  }
0xd: {  	s8 =	sadd.s32 $0x1, s8;
	s13 =	simm.s32 @p2 $0x0;
	p2 =	sgt.s32 s15, $0x1FF  }
0xe: {  	s15 =	smov.u32 @p2 s5;
	p2 =	sne.s32 s8, $0x22  }
.Ltmp1:
0xf: {  	_ = 	snop;
	(pc) =	sbr.rel @!p2 .LBB1_8-.Ltmp1, $4  }
0x10: {  	s14 =	simm.s32 @!p1 $0x2  }
0x11: {  	s12 =	smov.u32 s10;
	_ =	swait.ge @!p1 [sflag:s14], $0x4000  }
0x12: {  	p0 =	por !p0, !p0;
	s11 =	smov.u32 s9;
	[sflag:s14] =	ssyncset.done @!p1 $0x0  }
0x13: {  	s9 =	smov.u32 s13;
	[sflag:s14] =	ssyncadd.s32 @!p1 $0xFFFFC000;
	s10 =	smov.u32 s15  }
.LBB1_1:
0x14: {  	p1 =	sgt.u32 s8, $0x1F  }
0x15: {  	s13 =	sxor.u32 @!p1 $0xFFFFFFFF, s8;
	s14 =	sshll.u32 @!p1 s10, $0xC  }
0x16: {  	s15 =	sshll.u32 @!p1 s9, $0x7;
	s13 =	sshll.u32 @!p1 s13, $0xE;
	s14 =	sadd.s32 @!p1 s2, s14  }
0x17: {  	s13 =	sand.u32 @!p1 $0x4000, s13;
	s14 =	sadd.s32 @!p1 s15, s14;
	s15 =	simm.s32 @!p1 $0x0  }
0x18: {  	[tilespmem:s13], [sflag:$0x1] =	stream.linear.gather @!p1 [hbm4b:s14+s15], $0x4000, $0x38;
	[tilespmem:$0x10000] =	vst v63  }
0x19: {  	p1 =	seq.s32 s8, $0x0  }
0x1a: {  	p2 =	seq.s32 @!p1 s8, $0x21  }
0x1b: {  	p1 =	por p1, p2  }
.Ltmp2:
0x1c: {  	_ = 	snop;
	(pc) =	sbr.rel @p1 .LBB1_7-.Ltmp2, $1  }
0x1d: {  	_ =	sdelay $0x3  }
0x1e: {  	s13 =	simm.s32 $0x1;
	_ =	swait.ge [sflag:s4], $0x4000;
	s16 =	sshll.u32 s8, $0xE  }
0x1f: {  	s13 =	simm.s32 @!p0 $0x0;
	[sflag:s4] =	ssyncset.done $0x0;
	s31 =	sand.u32 $0x4000, s16  }
0x20: {  	s16 =	simm.s32 $0x0;
	s14 =	sshll.u32 s13, $0xE;
	[sflag:s4] =	ssyncadd.s32 $0xFFFFC000  }
0x21: {  	s13 =	sor.u32 $0x8040, s14;
	s15 =	sor.u32 $0x40, s14;
	s14 =	sor.u32 $0x8000, s31  }
.LBB1_3:
0x22: {  	v0 =	vmov s15;
	_ =	sdelay $0x3  }
0x23: {  	s18 =	simm.s32 $0x0  }
0x24: {  	v6 =	vld.idx.msk [tilespmem:v0+s18+$0x30 ss:$0x1], $0xffff  }
0x25: {  	v7 =	vld.idx.msk [tilespmem:v0+s18+$0xFFFFFFC0 ss:$0x1], $0xffff  }
0x26: {  	v5 =	vld.idx.msk [tilespmem:v0+s18+$0xFFFFFFD0 ss:$0x1], $0xffff  }
0x27: {  	v4 =	vld.idx.msk [tilespmem:v0+s18+$0xFFFFFFE0 ss:$0x1], $0xffff  }
0x28: {  	v3 =	vld.idx.msk [tilespmem:v0+s18+$0xFFFFFFF0 ss:$0x1], $0xffff  }
0x29: {  	v1 =	vld.idx.msk [tilespmem:v0+s18+$0x0 ss:$0x1], $0xffff  }
0x2a: {  	v2 =	vld.idx.msk [tilespmem:v0+s18+$0x10 ss:$0x1], $0xffff;
	[tilespmem:s13+$0x30] =	vst v6  }
0x2b: {  	s17 =	simm.s32 $0x80;
	s19 =	simm.s32 $0x400;
	[tilespmem:s13+$0xFFFFFFC0] =	vst v7;
	v6 =	vld.idx.msk [tilespmem:v0+s18+$0x20 ss:$0x1], $0xffff;
	s18 =	smov.u32 s13  }
.LBB1_4:
0x2c: {  	p1 =	sne.s32 s19, $0xE00;
	v7 =	vld.idx.msk [tilespmem:v0+s17+$0x30 ss:$0x1], $0xffff;
	[tilespmem:s18+$0xFFFFFFD0] =	vst v5  }
0x2d: {  	v8 =	vld.idx.msk [tilespmem:v0+s17+$0xFFFFFFC0 ss:$0x1], $0xffff;
	[tilespmem:s18+$0xFFFFFFE0] =	vst v4  }
0x2e: {  	v5 =	vld.idx.msk [tilespmem:v0+s17+$0xFFFFFFD0 ss:$0x1], $0xffff;
	[tilespmem:s18+$0xFFFFFFF0] =	vst v3  }
.Ltmp3:
0x2f: {  	v4 =	vld.idx.msk [tilespmem:v0+s17+$0xFFFFFFE0 ss:$0x1], $0xffff;
	[tilespmem:s18+$0x0] =	vst v1;
	(pc) =	sbr.rel @p1 .LBB1_4-.Ltmp3, $4  }
0x30: {  	v3 =	vld.idx.msk [tilespmem:v0+s17+$0xFFFFFFF0 ss:$0x1], $0xffff;
	[tilespmem:s18+$0x10] =	vst v2  }
0x31: {  	v1 =	vld.idx.msk [tilespmem:v0+s17+$0x0 ss:$0x1], $0xffff;
	[tilespmem:s18+$0x20] =	vst v6;
	s18 =	sadd.s32 $0x800, s18  }
0x32: {  	v2 =	vld.idx.msk [tilespmem:v0+s17+$0x10 ss:$0x1], $0xffff;
	[tilespmem:s18+$0x30] =	vst v7  }
0x33: {  	[tilespmem:s18+$0xFFFFFFC0] =	vst v8;
	v6 =	vld.idx.msk [tilespmem:v0+s17+$0x20 ss:$0x1], $0xffff;
	s17 =	sshra.s32 s19, $0x2;
	s19 =	sadd.s32 $0x200, s19  }
0x34: {  	_ =	sdelay $0x2  }
0x35: {  	[tilespmem:s18+$0xFFFFFFD0] =	vst v5  }
0x36: {  	v56 =	vld.idx.msk [tilespmem:v0+s17+$0x30 ss:$0x1], $0xffff;
	[tilespmem:s18+$0xFFFFFFE0] =	vst v4  }
0x37: {  	v57 =	vld.idx.msk [tilespmem:v0+s17+$0xFFFFFFC0 ss:$0x1], $0xffff;
	[tilespmem:s18+$0xFFFFFFF0] =	vst v3  }
0x38: {  	v58 =	vld.idx.msk [tilespmem:v0+s17+$0xFFFFFFD0 ss:$0x1], $0xffff;
	[tilespmem:s18+$0x0] =	vst v1  }
0x39: {  	v59 =	vld.idx.msk [tilespmem:v0+s17+$0xFFFFFFE0 ss:$0x1], $0xffff;
	[tilespmem:s18+$0x10] =	vst v2  }
0x3a: {  	v60 =	vld.idx.msk [tilespmem:v0+s17+$0xFFFFFFF0 ss:$0x1], $0xffff;
	s31 =	sadd.s32 $0x800, s18;
	[tilespmem:s18+$0x20] =	vst v6  }
0x3b: {  	v61 =	vld.idx.msk [tilespmem:v0+s17+$0x0 ss:$0x1], $0xffff;
	[tilespmem:s31+$0x30] =	vst v56  }
0x3c: {  	v62 =	vld.idx.msk [tilespmem:v0+s17+$0x10 ss:$0x1], $0xffff;
	s16 =	sadd.s32 $0x1, s16;
	[tilespmem:s31+$0xFFFFFFC0] =	vst v57  }
0x3d: {  	v63 =	vld.idx.msk [tilespmem:v0+s17+$0x20 ss:$0x1], $0xffff;
	p1 =	sne.s32 s16, $0x10;
	[tilespmem:s31+$0xFFFFFFD0] =	vst v58  }
.Ltmp4:
0x3e: {  	[tilespmem:s31+$0xFFFFFFE0] =	vst v59;
	(pc) =	sbr.rel @p1 .LBB1_3-.Ltmp4, $4  }
0x3f: {  	[tilespmem:s31+$0xFFFFFFF0] =	vst v60  }
0x40: {  	[tilespmem:s31+$0x0] =	vst v61  }
0x41: {  	[tilespmem:s31+$0x10] =	vst v62  }
0x42: {  	s13 =	sadd.s32 $0x80, s13;
	s15 =	sadd.s32 $0x400, s15;
	[tilespmem:s31+$0x20] =	vst v63  }
.Ltmp5:
0x43: {  	(pc) =	sbr.rel .LBB1_7-.Ltmp5, $4  }
0x44: {  	s12 =	sshll.u32 s12, $0xC;
	s11 =	sshll.u32 s11, $0x4  }
0x45: {  	s11 =	sand.u32 $0x1F0, s11;
	s12 =	sadd.s32 s3, s12  }
0x46: {  	s11 =	sadd.s32 s11, s12  }
0x47: {  	[hbm4b:s11+s6] =	stream.strided.scatter [tilespmem:s14], [sflag:$0x2], $0x4000, s7, s6, $0x38;
	[tilespmem:$0x10000] =	vst v63  }
.LBB1_8:
0x48: {  	_ =	sfence.sel $0x180000  }
0x49: {  	s2 =	simm.s32 $0x1;
	[bflag:$0x0] =	sbarrier.arrive $0xFFFF  }
0x4a: {  	s31 =	simm.s32 $0x2;
	[sflag:s2] =	ssyncpa.u1 $0x1  }
0x4b: {  	[sflag:s31] =	ssyncpa.u1 $0x1  }
0x4c: {  	p0 =	sne.s32 s1, $0x0;
	_ =	strace $0x90000047  }
0x4d: {  	s0 =	sadd.s32 @!p0 $0x100000, s0;
	[bflag:$0x2] =	sbarrier.arrive $0xFFFF  }
0x4e: {  	[sflag:s0] =	ssyncadd.tile.s32 @!p0 $0x1;
	_ =	shalt  }
.Lfunc_end1:
_tile_overlayer_lowered:
.L_overlay_start_2:
0x4f: {  	(tag) =	ssettag $0x2  }
0x50: {  	s0 =	rddreg [dreg:$0x0];
	s2 =	stileid.u32  }
0x51: {  	s1 =	rddreg [dreg:$0x1];
	p0 =	sne.s32 s2, $0x0  }
0x52: {  	s3 =	rddreg [dreg:$0x2];
	[bflag:$0x3] =	sbarrier.arrive $0xFFFF;
	s2 =	simm.s32 @!p0 $0x1C01  }
0x53: {  	[timem:s3], [sflag:s2] =	dma.local @!p0 [hbm:s0], s1  }
0x54: {  	s0 =	simm.s32 @!p0 $0x1  }
0x55: {  	_ =	swait.ge @!p0 [sflag:s0], s1  }
0x56: {  	s1 =	ssub.s32 @!p0 $0x0, s1;
	[sflag:s0] =	ssyncset.done @!p0 $0x0  }
0x57: {  	[sflag:s0] =	ssyncadd.s32 @!p0 s1  }
0x58: {  	[bflag:$0x3] =	sbarrier.arrive $0xFFFF  }
0x59: {  	_ =	shalt  }

</sc_bundles>
